<compile_context>
chip_gen: v7x
topology: tpu7x:2x2x1
jax: 0.10.2.dev20260603
libtpu: 0.0.44.dev20260713+nightly
codegen_flags: <defaults>
</compile_context>

<pallas_src>
import functools

import jax
import jax.numpy as jnp
from jax import lax
from jax.experimental import pallas as pl
from jax.experimental.pallas import tpu as pltpu
from jax.experimental.pallas import tpu_sc as plsc

NUM_EMBEDDING = 1000000
EMBEDDING_DIM = 64
IBLK = 128
PITCH = IBLK + 1

_INFO = plsc.get_sparse_core_info()
_NC = _INFO.num_cores
_NS = _INFO.num_subcores
_NW = _NC * _NS


def _make_lookup(n_tokens, n_per):
    i_per_w = n_tokens // _NW
    nblk = i_per_w // IBLK
    n_iblk = n_tokens // IBLK
    n_jobs = n_per * nblk
    dtiles = EMBEDDING_DIM // 8
    out_rows = n_tokens * n_per * EMBEDDING_DIM // IBLK
    mesh = plsc.VectorSubcoreMesh(core_axis_name="c", subcore_axis_name="s")

    @functools.partial(
        pl.kernel,
        mesh=mesh,
        out_type=jax.ShapeDtypeStruct((out_rows, IBLK), jnp.float32),
        scratch_types=[
            pltpu.VMEM((n_per, i_per_w), jnp.int32),
            pltpu.VMEM((2, IBLK, EMBEDDING_DIM), jnp.float32),
            pltpu.VMEM((2, EMBEDDING_DIM, PITCH), jnp.float32),
            pltpu.SemaphoreType.DMA,
            pltpu.SemaphoreType.DMA,
        ],
        compiler_params=pltpu.CompilerParams(use_tc_tiling_on_sc=False,
                                             needs_layout_passes=False,
                                             disable_bounds_checks=True),
    )
    def lookup_kernel(tok_hbm, table_hbm, out_hbm, idx_v, rows_v, t_v,
                      gsem, wsem):
        wid = lax.axis_index("s") * _NC + lax.axis_index("c")
        i0w = wid * i_per_w
        pltpu.sync_copy(tok_hbm.at[:, pl.ds(i0w, i_per_w)], idx_v)
        lanes = lax.iota(jnp.int32, 16)

        def fire_gather(job, buf):
            j = lax.div(job, nblk)
            ib = lax.rem(job, nblk)
            pltpu.async_copy(
                table_hbm.at[idx_v.at[j, pl.ds(ib * IBLK, IBLK)]],
                rows_v.at[buf],
                gsem,
            )

        def drain_gather(buf):
            pltpu.make_async_copy(
                table_hbm.at[pl.ds(0, IBLK)],
                rows_v.at[buf],
                gsem,
            ).wait()

        def drain_writebacks():
            pltpu.make_async_copy(
                t_v.at[0, :, pl.ds(0, IBLK)],
                out_hbm.at[pl.ds(0, EMBEDDING_DIM)],
                wsem,
            ).wait()

        def transpose_into(buf):
            @plsc.parallel_loop(0, IBLK, 1, unroll=4)
            def _(t):
                tvec = jnp.full((16,), 0, jnp.int32) + t
                for dc in range(EMBEDDING_DIM // 16):
                    vals = rows_v[buf, t, pl.ds(dc * 16, 16)]
                    plsc.store_scatter(
                        t_v.at[buf],
                        [dc * 16 + lanes, tvec],
                        vals,
                    )

        def fire_writebacks(job, buf):
            j = lax.div(job, nblk)
            ib = lax.rem(job, nblk)
            gblk = wid * nblk + ib
            for db in range(dtiles):
                pltpu.async_copy(
                    t_v.at[buf, pl.ds(db * 8, 8), pl.ds(0, IBLK)],
                    out_hbm.at[pl.ds(((j * dtiles + db) * n_iblk + gblk) * 8,
                                     8)],
                    wsem,
                )

        fire_gather(0, 0)
        fire_writebacks(0, 1)

        def job_body(job, carry):
            cur = lax.rem(job, 2)
            nxt = 1 - cur
            drain_gather(cur)
            nxt_job = lax.min(job + 1, n_jobs - 1)
            fire_gather(nxt_job, nxt)
            transpose_into(cur)
            drain_writebacks()
            fire_writebacks(job, cur)
            return carry

        lax.fori_loop(0, n_jobs, job_body, 0)
        drain_gather(lax.rem(n_jobs, 2))
        drain_writebacks()

    return lookup_kernel


def _make_table_format(n_rows):
    n_full = n_rows // IBLK
    tail = n_rows - n_full * IBLK
    quota = (n_full + _NW - 1) // _NW
    npair = (quota + 1) // 2
    mesh = plsc.VectorSubcoreMesh(core_axis_name="c", subcore_axis_name="s")

    @functools.partial(
        pl.kernel,
        mesh=mesh,
        out_type=jax.ShapeDtypeStruct((n_rows * EMBEDDING_DIM,), jnp.float32),
        scratch_types=[
            pltpu.VMEM((EMBEDDING_DIM, IBLK), jnp.float32),
            pltpu.VMEM((EMBEDDING_DIM, IBLK), jnp.float32),
            pltpu.VMEM((EMBEDDING_DIM * IBLK,), jnp.float32),
            pltpu.VMEM((EMBEDDING_DIM * IBLK,), jnp.float32),
            pltpu.VMEM((EMBEDDING_DIM, tail), jnp.float32),
            pltpu.VMEM((tail * EMBEDDING_DIM,), jnp.float32),
            pltpu.SemaphoreType.DMA,
            pltpu.SemaphoreType.DMA,
        ],
        compiler_params=pltpu.CompilerParams(use_tc_tiling_on_sc=True,
                                             needs_layout_passes=False,
                                             disable_bounds_checks=True),
    )
    def format_kernel(wt_hbm, out_hbm, src_a, src_b, tst_a, tst_b,
                      tl_v, tlst_v, wsem_a, wsem_b):
        wid = lax.axis_index("s") * _NC + lax.axis_index("c")
        lanes = lax.iota(jnp.int32, 16)
        l64 = lanes * 64
        srcs = (src_a, src_b)
        tsts = (tst_a, tst_b)
        wsems = (wsem_a, wsem_b)

        def pos_of(t):
            return lax.min(wid * quota + t, n_full - 1)

        def out_slice(t):
            return out_hbm.at[pl.ds(pos_of(t) * IBLK * EMBEDDING_DIM,
                                    EMBEDDING_DIM * IBLK)]

        def drain_writeback(b):
            pltpu.make_async_copy(
                tsts[b], out_hbm.at[pl.ds(0, EMBEDDING_DIM * IBLK)], wsems[b]
            ).wait()

        def transpose_pos(sv, tv, width):
            @plsc.parallel_loop(0, width, 1, unroll=2)
            def _(q):
                vb = (q // 16) * 16
                s = q % 16
                rel = (lanes + s) & 15
                vvec = vb + lanes
                dstbase = l64 + rel + vb * 64
                for dc in range(EMBEDDING_DIM // 16):
                    vals = plsc.load_gather(sv, [dc * 16 + rel, vvec])
                    plsc.store_scatter(tv, [dstbase + dc * 16], vals)

        pltpu.async_copy(tst_a, out_slice(0), wsem_a)
        pltpu.async_copy(tst_b, out_slice(1), wsem_b)

        def pair_body(i, carry):
            for b in range(2):
                t = i * 2 + b
                pltpu.sync_copy(wt_hbm.at[:, pl.ds(pos_of(t) * IBLK, IBLK)],
                                srcs[b])
                drain_writeback(b)
                transpose_pos(srcs[b], tsts[b], IBLK)
                pltpu.async_copy(tsts[b], out_slice(t), wsems[b])
            return carry

        lax.fori_loop(0, npair, pair_body, 0)
        drain_writeback(0)
        drain_writeback(1)

        pltpu.sync_copy(wt_hbm.at[:, pl.ds(n_full * IBLK, tail)], tl_v)
        transpose_pos(tl_v, tlst_v, tail)
        pltpu.sync_copy(
            tlst_v,
            out_hbm.at[pl.ds(n_full * IBLK * EMBEDDING_DIM,
                             tail * EMBEDDING_DIM)],
        )

    return format_kernel


def kernel(token_ids, weight):
    n_tokens, n_per = token_ids.shape
    n_rows = weight.shape[0]
    tok2 = token_ids.T.astype(jnp.int32)
    w1d = _make_table_format(n_rows)(weight.T)
    table2 = w1d.reshape(n_rows, EMBEDDING_DIM)
    out2d = _make_lookup(n_tokens, n_per)(tok2, table2)
    o5 = out2d.reshape(n_per, EMBEDDING_DIM // 8, n_tokens // IBLK, 8, IBLK)
    return o5.transpose(2, 4, 0, 1, 3).reshape(n_tokens, n_per, EMBEDDING_DIM)

# --- scband reference (transcript-rebuilt; emitter-appended) ---
"""Pipeline reference for scband-embedding-78391743087080 (READ-ONLY COPY).

The authoritative reference and input builder live on the scoring server;
editing this copy changes nothing except your own understanding.
"""

import jax, jax.numpy as jnp
import numpy as np

NUM_EMBEDDING = 1000000
EMBEDDING_DIM = 64

def setup_inputs(seed: int = 0) -> dict:
    key = jax.random.key(seed)
    k_idx, k_w = jax.random.split(key)
    token_ids = jax.random.randint(k_idx, (16384, 50), 0, NUM_EMBEDDING, dtype=jnp.int64 if jax.config.jax_enable_x64 else jnp.int32)
    # trunc_normal_(mean=0, std=1, a=-3, b=-3..3) equivalent
    weight = jax.random.truncated_normal(k_w, -3.0, 3.0, (NUM_EMBEDDING, EMBEDDING_DIM), dtype=jnp.float32)
    return {"token_ids": token_ids, "weight": weight}

def reference(token_ids, weight):
    # out = self.weight[token_ids]
    out = jnp.take(weight, token_ids, axis=0)
    return out

if __name__ == "__main__":
    import jax
    _d = setup_inputs()
    print(jax.jit(kernel)(*tuple(_d.values())))

</pallas_src>

<mosaic_0001>
#map = affine_map<(d0, d1) -> (0, 0)>
#map1 = affine_map<(d0, d1) -> (0)>
module attributes {stable_mosaic.version = 14 : i64} {
  func.func @format_kernel(%arg0: i32, %arg1: i32, %arg2: memref<64x1000000xf32, #tpu.memory_space<hbm>>, %arg3: memref<64000000xf32, #tpu.memory_space<hbm>>, %arg4: memref<64x128xf32, #tpu.memory_space<vmem>>, %arg5: memref<64x128xf32, #tpu.memory_space<vmem>>, %arg6: memref<8192xf32, #tpu.memory_space<vmem>>, %arg7: memref<8192xf32, #tpu.memory_space<vmem>>, %arg8: memref<64x64xf32, #tpu.memory_space<vmem>>, %arg9: memref<4096xf32, #tpu.memory_space<vmem>>, %arg10: memref<!tpu.dma_semaphore, #tpu.memory_space<semaphore_mem>>, %arg11: memref<!tpu.dma_semaphore, #tpu.memory_space<semaphore_mem>>) attributes {dimension_semantics = [#tpu.dimension_semantics<core_parallel>, #tpu.dimension_semantics<subcore_parallel>], iteration_bounds = array<i64: 2, 16>, scalar_prefetch = 0 : i64, scratch_operands = 8 : i64, tpu.core_type = #tpu.core_type<sc_vector_subcore>, window_params = [{transform_indices = #map}, {transform_indices = #map1}]} {
    %mul3A = arith.constant 2 : i32
    %mul3A_0 = arith.muli %arg1, %mul3A : i32
    %add3A = arith.addi %mul3A_0, %arg0 : i32
    %iota3A = tpu.iota {dimensions = array<i32: 0>} : vector<16xi32>
    %mul3A_1 = arith.constant 64 : i32
    %mul3A_2 = vector.broadcast %mul3A_1 : i32 to vector<16xi32>
    %mul3A_3 = arith.muli %iota3A, %mul3A_2 : vector<16xi32>
    %mul3A_4 = arith.constant 245 : i32
    %mul3A_5 = arith.muli %add3A, %mul3A_4 : i32
    %add3A_6 = arith.constant 0 : i32
    %add3A_7 = arith.addi %mul3A_5, %add3A_6 : i32
    %min3A = arith.constant 7811 : i32
    %min3A_8 = arith.minsi %add3A_7, %min3A : i32
    %mul3A_9 = arith.constant 128 : i32
    %mul3A_10 = arith.muli %min3A_8, %mul3A_9 : i32
    %mul3A_11 = arith.constant 64 : i32
    %mul3A_12 = arith.muli %mul3A_10, %mul3A_11 : i32
    %dma_start3A = tpu.memref_slice %arg3[%mul3A_12] : memref<64000000xf32, #tpu.memory_space<hbm>> -> memref<8192xf32, #tpu.memory_space<hbm>>
    %dma_start3A_13 = tpu.memref_slice %arg3[%mul3A_12] : memref<64000000xf32, #tpu.memory_space<hbm>> -> memref<8192xf32, #tpu.memory_space<hbm>>
    tpu.enqueue_dma source(%arg6 : memref<8192xf32, #tpu.memory_space<vmem>>) target(%dma_start3A_13 : memref<8192xf32, #tpu.memory_space<hbm>>) target_semaphore(%arg10 : memref<!tpu.dma_semaphore, #tpu.memory_space<semaphore_mem>>)
    %mul3A_14 = arith.constant 245 : i32
    %mul3A_15 = arith.muli %add3A, %mul3A_14 : i32
    %add3A_16 = arith.constant 1 : i32
    %add3A_17 = arith.addi %mul3A_15, %add3A_16 : i32
    %min3A_18 = arith.constant 7811 : i32
    %min3A_19 = arith.minsi %add3A_17, %min3A_18 : i32
    %mul3A_20 = arith.constant 128 : i32
    %mul3A_21 = arith.muli %min3A_19, %mul3A_20 : i32
    %mul3A_22 = arith.constant 64 : i32
    %mul3A_23 = arith.muli %mul3A_21, %mul3A_22 : i32
    %dma_start3A_24 = tpu.memref_slice %arg3[%mul3A_23] : memref<64000000xf32, #tpu.memory_space<hbm>> -> memref<8192xf32, #tpu.memory_space<hbm>>
    %dma_start3A_25 = tpu.memref_slice %arg3[%mul3A_23] : memref<64000000xf32, #tpu.memory_space<hbm>> -> memref<8192xf32, #tpu.memory_space<hbm>>
    tpu.enqueue_dma source(%arg7 : memref<8192xf32, #tpu.memory_space<vmem>>) target(%dma_start3A_25 : memref<8192xf32, #tpu.memory_space<hbm>>) target_semaphore(%arg11 : memref<!tpu.dma_semaphore, #tpu.memory_space<semaphore_mem>>)
    %scan3A = arith.constant 0 : i32
    %scan3A_26 = arith.constant 0 : i32
    %scan3A_27 = arith.constant 123 : i32
    %scan3A_28 = arith.addi %scan3A_26, %scan3A_27 : i32
    %scan3A_29 = arith.constant 1 : i32
    scf.for %scan3A_40 = %scan3A_26 to %scan3A_28 step %scan3A_29  : i32 {
      %mul3A_41 = arith.constant 2 : i32
      %mul3A_42 = arith.muli %scan3A_40, %mul3A_41 : i32
      %add3A_43 = arith.constant 0 : i32
      %add3A_44 = arith.addi %mul3A_42, %add3A_43 : i32
      %mul3A_45 = arith.constant 245 : i32
      %mul3A_46 = arith.muli %add3A, %mul3A_45 : i32
      %add3A_47 = arith.addi %mul3A_46, %add3A_44 : i32
      %min3A_48 = arith.constant 7811 : i32
      %min3A_49 = arith.minsi %add3A_47, %min3A_48 : i32
      %mul3A_50 = arith.constant 128 : i32
      %mul3A_51 = arith.muli %min3A_49, %mul3A_50 : i32
      "tpu.region"() ({
        %run_scoped3A = tpu.sem_alloc : memref<!tpu.dma_semaphore, #tpu.memory_space<semaphore_mem>>
        %dma_start3A_99 = arith.constant 0 : i32
        %dma_start3A_100 = tpu.memref_slice %arg2[%dma_start3A_99, %mul3A_51] : memref<64x1000000xf32, #tpu.memory_space<hbm>> -> memref<64x128xf32, #tpu.memory_space<hbm>>
        %dma_start3A_101 = arith.constant 0 : i32
        %dma_start3A_102 = tpu.memref_slice %arg2[%dma_start3A_101, %mul3A_51] : memref<64x1000000xf32, #tpu.memory_space<hbm>> -> memref<64x128xf32, #tpu.memory_space<hbm>>
        tpu.enqueue_dma source(%dma_start3A_102 : memref<64x128xf32, #tpu.memory_space<hbm>>) target(%arg4 : memref<64x128xf32, #tpu.memory_space<vmem>>) target_semaphore(%run_scoped3A : memref<!tpu.dma_semaphore, #tpu.memory_space<semaphore_mem>>)
        %dma_wait3A_103 = arith.constant 0 : i32
        %dma_wait3A_104 = tpu.memref_slice %arg2[%dma_wait3A_103, %mul3A_51] : memref<64x1000000xf32, #tpu.memory_space<hbm>> -> memref<64x128xf32, #tpu.memory_space<hbm>>
        %dma_wait3A_105 = arith.constant 0 : i32
        %dma_wait3A_106 = tpu.memref_slice %arg2[%dma_wait3A_105, %mul3A_51] : memref<64x1000000xf32, #tpu.memory_space<hbm>> -> memref<64x128xf32, #tpu.memory_space<hbm>>
        tpu.wait_dma2 semaphore(%run_scoped3A : memref<!tpu.dma_semaphore, #tpu.memory_space<semaphore_mem>>) src(%dma_wait3A_106 : memref<64x128xf32, #tpu.memory_space<hbm>>) dst(%arg4 : memref<64x128xf32, #tpu.memory_space<vmem>>)
        tpu.yield
      }) : () -> ()
      %dma_wait3A_52 = arith.constant 0 : i32
      %dma_wait3A_53 = tpu.memref_slice %arg3[%dma_wait3A_52] : memref<64000000xf32, #tpu.memory_space<hbm>> -> memref<8192xf32, #tpu.memory_space<hbm>>
      %dma_wait3A_54 = arith.constant 0 : i32
      %dma_wait3A_55 = tpu.memref_slice %arg3[%dma_wait3A_54] : memref<64000000xf32, #tpu.memory_space<hbm>> -> memref<8192xf32, #tpu.memory_space<hbm>>
      tpu.wait_dma2 semaphore(%arg10 : memref<!tpu.dma_semaphore, #tpu.memory_space<semaphore_mem>>) src(%arg6 : memref<8192xf32, #tpu.memory_space<vmem>>) dst(%dma_wait3A_55 : memref<8192xf32, #tpu.memory_space<hbm>>)
      %parallel_loop3A_56 = arith.constant 0 : i32
      %parallel_loop3A_57 = arith.constant 128 : i32
      %parallel_loop3A_58 = arith.constant 1 : i32
      scf.for %parallel_loop3A_99 = %parallel_loop3A_56 to %parallel_loop3A_57 step %parallel_loop3A_58  : i32 {
        %parallel_loop3A_100 = arith.constant 16 : i32
        %parallel_loop3A_101 = arith.divsi %parallel_loop3A_99, %parallel_loop3A_100 : i32
        %parallel_loop3A_102 = arith.constant 0 : i32
        %parallel_loop3A_103 = arith.cmpi sgt, %parallel_loop3A_99, %parallel_loop3A_102 : i32
        %parallel_loop3A_104 = arith.extui %parallel_loop3A_103 : i1 to i32
        %parallel_loop3A_105 = arith.constant 0 : i32
        %parallel_loop3A_106 = arith.cmpi slt, %parallel_loop3A_99, %parallel_loop3A_105 : i32
        %parallel_loop3A_107 = arith.extui %parallel_loop3A_106 : i1 to i32
        %parallel_loop3A_108 = arith.subi %parallel_loop3A_104, %parallel_loop3A_107 : i32
        %parallel_loop3A_109 = arith.constant 0 : i32
        %parallel_loop3A_110 = arith.cmpi sgt, %parallel_loop3A_100, %parallel_loop3A_109 : i32
        %parallel_loop3A_111 = arith.extui %parallel_loop3A_110 : i1 to i32
        %parallel_loop3A_112 = arith.constant 0 : i32
        %parallel_loop3A_113 = arith.cmpi slt, %parallel_loop3A_100, %parallel_loop3A_112 : i32
        %parallel_loop3A_114 = arith.extui %parallel_loop3A_113 : i1 to i32
        %parallel_loop3A_115 = arith.subi %parallel_loop3A_111, %parallel_loop3A_114 : i32
        %parallel_loop3A_116 = arith.cmpi ne, %parallel_loop3A_108, %parallel_loop3A_115 : i32
        %parallel_loop3A_117 = arith.remsi %parallel_loop3A_99, %parallel_loop3A_100 : i32
        %parallel_loop3A_118 = arith.constant 0 : i32
        %parallel_loop3A_119 = arith.cmpi ne, %parallel_loop3A_117, %parallel_loop3A_118 : i32
        %parallel_loop3A_120 = arith.andi %parallel_loop3A_116, %parallel_loop3A_119 : i1
        %parallel_loop3A_121 = arith.constant 1 : i32
        %parallel_loop3A_122 = arith.subi %parallel_loop3A_101, %parallel_loop3A_121 : i32
        %parallel_loop3A_123 = arith.select %parallel_loop3A_120, %parallel_loop3A_122, %parallel_loop3A_101 : i32
        %parallel_loop3A_124 = arith.constant 16 : i32
        %parallel_loop3A_125 = arith.muli %parallel_loop3A_123, %parallel_loop3A_124 : i32
        %parallel_loop3A_126 = arith.constant 16 : i32
        %parallel_loop3A_127 = arith.constant 0 : i32
        %parallel_loop3A_128 = arith.cmpi eq, %parallel_loop3A_126, %parallel_loop3A_127 : i32
        %parallel_loop3A_129 = arith.constant 1 : i32
        %parallel_loop3A_130 = arith.select %parallel_loop3A_128, %parallel_loop3A_129, %parallel_loop3A_126 : i32
        %parallel_loop3A_131 = arith.remsi %parallel_loop3A_99, %parallel_loop3A_130 : i32
        %parallel_loop3A_132 = arith.constant 0 : i32
        %parallel_loop3A_133 = arith.cmpi ne, %parallel_loop3A_131, %parallel_loop3A_132 : i32
        %parallel_loop3A_134 = arith.constant 0 : i32
        %parallel_loop3A_135 = arith.cmpi slt, %parallel_loop3A_131, %parallel_loop3A_134 : i32
        %parallel_loop3A_136 = arith.constant 0 : i32
        %parallel_loop3A_137 = arith.cmpi slt, %parallel_loop3A_130, %parallel_loop3A_136 : i32
        %parallel_loop3A_138 = arith.xori %parallel_loop3A_135, %parallel_loop3A_137 : i1
        %parallel_loop3A_139 = arith.andi %parallel_loop3A_138, %parallel_loop3A_133 : i1
        %parallel_loop3A_140 = arith.addi %parallel_loop3A_131, %parallel_loop3A_130 : i32
        %parallel_loop3A_141 = arith.select %parallel_loop3A_139, %parallel_loop3A_140, %parallel_loop3A_131 : i32
        %parallel_loop3A_142 = vector.broadcast %parallel_loop3A_141 : i32 to vector<16xi32>
        %parallel_loop3A_143 = arith.addi %iota3A, %parallel_loop3A_142 : vector<16xi32>
        %parallel_loop3A_144 = arith.constant 15 : i32
        %parallel_loop3A_145 = vector.broadcast %parallel_loop3A_144 : i32 to vector<16xi32>
        %parallel_loop3A_146 = arith.andi %parallel_loop3A_143, %parallel_loop3A_145 : vector<16xi32>
        %parallel_loop3A_147 = vector.broadcast %parallel_loop3A_125 : i32 to vector<16xi32>
        %parallel_loop3A_148 = arith.addi %parallel_loop3A_147, %iota3A : vector<16xi32>
        %parallel_loop3A_149 = arith.addi %mul3A_3, %parallel_loop3A_146 : vector<16xi32>
        %parallel_loop3A_150 = arith.constant 64 : i32
        %parallel_loop3A_151 = arith.muli %parallel_loop3A_125, %parallel_loop3A_150 : i32
        %parallel_loop3A_152 = vector.broadcast %parallel_loop3A_151 : i32 to vector<16xi32>
        %parallel_loop3A_153 = arith.addi %parallel_loop3A_149, %parallel_loop3A_152 : vector<16xi32>
        %parallel_loop3A_154 = arith.constant 0 : i32
        %parallel_loop3A_155 = vector.broadcast %parallel_loop3A_154 : i32 to vector<16xi32>
        %parallel_loop3A_156 = arith.addi %parallel_loop3A_155, %parallel_loop3A_146 : vector<16xi32>
        %parallel_loop3A_157 = tpu.vector_load_idx %arg4[%parallel_loop3A_156, %parallel_loop3A_148] : memref<64x128xf32, #tpu.memory_space<vmem>>[vector<16xi32>, vector<16xi32>], vector<16xf32>,
        %parallel_loop3A_158 = arith.constant 0 : i32
        %parallel_loop3A_159 = vector.broadcast %parallel_loop3A_158 : i32 to vector<16xi32>
        %parallel_loop3A_160 = arith.addi %parallel_loop3A_153, %parallel_loop3A_159 : vector<16xi32>
        tpu.vector_store_idx %arg6[%parallel_loop3A_160], %parallel_loop3A_157 : memref<8192xf32, #tpu.memory_space<vmem>>[vector<16xi32>], vector<16xf32>,
        %parallel_loop3A_161 = arith.constant 16 : i32
        %parallel_loop3A_162 = vector.broadcast %parallel_loop3A_161 : i32 to vector<16xi32>
        %parallel_loop3A_163 = arith.addi %parallel_loop3A_162, %parallel_loop3A_146 : vector<16xi32>
        %parallel_loop3A_164 = tpu.vector_load_idx %arg4[%parallel_loop3A_163, %parallel_loop3A_148] : memref<64x128xf32, #tpu.memory_space<vmem>>[vector<16xi32>, vector<16xi32>], vector<16xf32>,
        %parallel_loop3A_165 = arith.constant 16 : i32
        %parallel_loop3A_166 = vector.broadcast %parallel_loop3A_165 : i32 to vector<16xi32>
        %parallel_loop3A_167 = arith.addi %parallel_loop3A_153, %parallel_loop3A_166 : vector<16xi32>
        tpu.vector_store_idx %arg6[%parallel_loop3A_167], %parallel_loop3A_164 : memref<8192xf32, #tpu.memory_space<vmem>>[vector<16xi32>], vector<16xf32>,
        %parallel_loop3A_168 = arith.constant 32 : i32
        %parallel_loop3A_169 = vector.broadcast %parallel_loop3A_168 : i32 to vector<16xi32>
        %parallel_loop3A_170 = arith.addi %parallel_loop3A_169, %parallel_loop3A_146 : vector<16xi32>
        %parallel_loop3A_171 = tpu.vector_load_idx %arg4[%parallel_loop3A_170, %parallel_loop3A_148] : memref<64x128xf32, #tpu.memory_space<vmem>>[vector<16xi32>, vector<16xi32>], vector<16xf32>,
        %parallel_loop3A_172 = arith.constant 32 : i32
        %parallel_loop3A_173 = vector.broadcast %parallel_loop3A_172 : i32 to vector<16xi32>
        %parallel_loop3A_174 = arith.addi %parallel_loop3A_153, %parallel_loop3A_173 : vector<16xi32>
        tpu.vector_store_idx %arg6[%parallel_loop3A_174], %parallel_loop3A_171 : memref<8192xf32, #tpu.memory_space<vmem>>[vector<16xi32>], vector<16xf32>,
        %parallel_loop3A_175 = arith.constant 48 : i32
        %parallel_loop3A_176 = vector.broadcast %parallel_loop3A_175 : i32 to vector<16xi32>
        %parallel_loop3A_177 = arith.addi %parallel_loop3A_176, %parallel_loop3A_146 : vector<16xi32>
        %parallel_loop3A_178 = tpu.vector_load_idx %arg4[%parallel_loop3A_177, %parallel_loop3A_148] : memref<64x128xf32, #tpu.memory_space<vmem>>[vector<16xi32>, vector<16xi32>], vector<16xf32>,
        %parallel_loop3A_179 = arith.constant 48 : i32
        %parallel_loop3A_180 = vector.broadcast %parallel_loop3A_179 : i32 to vector<16xi32>
        %parallel_loop3A_181 = arith.addi %parallel_loop3A_153, %parallel_loop3A_180 : vector<16xi32>
        tpu.vector_store_idx %arg6[%parallel_loop3A_181], %parallel_loop3A_178 : memref<8192xf32, #tpu.memory_space<vmem>>[vector<16xi32>], vector<16xf32>,
      } {sc.loop_unroll_factor = 2 : i64, sc.parallel_access}
      %mul3A_59 = arith.constant 245 : i32
      %mul3A_60 = arith.muli %add3A, %mul3A_59 : i32
      %add3A_61 = arith.addi %mul3A_60, %add3A_44 : i32
      %min3A_62 = arith.constant 7811 : i32
      %min3A_63 = arith.minsi %add3A_61, %min3A_62 : i32
      %mul3A_64 = arith.constant 128 : i32
      %mul3A_65 = arith.muli %min3A_63, %mul3A_64 : i32
      %mul3A_66 = arith.constant 64 : i32
      %mul3A_67 = arith.muli %mul3A_65, %mul3A_66 : i32
      %dma_start3A_68 = tpu.memref_slice %arg3[%mul3A_67] : memref<64000000xf32, #tpu.memory_space<hbm>> -> memref<8192xf32, #tpu.memory_space<hbm>>
      %dma_start3A_69 = tpu.memref_slice %arg3[%mul3A_67] : memref<64000000xf32, #tpu.memory_space<hbm>> -> memref<8192xf32, #tpu.memory_space<hbm>>
      tpu.enqueue_dma source(%arg6 : memref<8192xf32, #tpu.memory_space<vmem>>) target(%dma_start3A_69 : memref<8192xf32, #tpu.memory_space<hbm>>) target_semaphore(%arg10 : memref<!tpu.dma_semaphore, #tpu.memory_space<semaphore_mem>>)
      %mul3A_70 = arith.constant 2 : i32
      %mul3A_71 = arith.muli %scan3A_40, %mul3A_70 : i32
      %add3A_72 = arith.constant 1 : i32
      %add3A_73 = arith.addi %mul3A_71, %add3A_72 : i32
      %mul3A_74 = arith.constant 245 : i32
      %mul3A_75 = arith.muli %add3A, %mul3A_74 : i32
      %add3A_76 = arith.addi %mul3A_75, %add3A_73 : i32
      %min3A_77 = arith.constant 7811 : i32
      %min3A_78 = arith.minsi %add3A_76, %min3A_77 : i32
      %mul3A_79 = arith.constant 128 : i32
      %mul3A_80 = arith.muli %min3A_78, %mul3A_79 : i32
      "tpu.region"() ({
        %run_scoped3A = tpu.sem_alloc : memref<!tpu.dma_semaphore, #tpu.memory_space<semaphore_mem>>
        %dma_start3A_99 = arith.constant 0 : i32
        %dma_start3A_100 = tpu.memref_slice %arg2[%dma_start3A_99, %mul3A_80] : memref<64x1000000xf32, #tpu.memory_space<hbm>> -> memref<64x128xf32, #tpu.memory_space<hbm>>
        %dma_start3A_101 = arith.constant 0 : i32
        %dma_start3A_102 = tpu.memref_slice %arg2[%dma_start3A_101, %mul3A_80] : memref<64x1000000xf32, #tpu.memory_space<hbm>> -> memref<64x128xf32, #tpu.memory_space<hbm>>
        tpu.enqueue_dma source(%dma_start3A_102 : memref<64x128xf32, #tpu.memory_space<hbm>>) target(%arg5 : memref<64x128xf32, #tpu.memory_space<vmem>>) target_semaphore(%run_scoped3A : memref<!tpu.dma_semaphore, #tpu.memory_space<semaphore_mem>>)
        %dma_wait3A_103 = arith.constant 0 : i32
        %dma_wait3A_104 = tpu.memref_slice %arg2[%dma_wait3A_103, %mul3A_80] : memref<64x1000000xf32, #tpu.memory_space<hbm>> -> memref<64x128xf32, #tpu.memory_space<hbm>>
        %dma_wait3A_105 = arith.constant 0 : i32
        %dma_wait3A_106 = tpu.memref_slice %arg2[%dma_wait3A_105, %mul3A_80] : memref<64x1000000xf32, #tpu.memory_space<hbm>> -> memref<64x128xf32, #tpu.memory_space<hbm>>
        tpu.wait_dma2 semaphore(%run_scoped3A : memref<!tpu.dma_semaphore, #tpu.memory_space<semaphore_mem>>) src(%dma_wait3A_106 : memref<64x128xf32, #tpu.memory_space<hbm>>) dst(%arg5 : memref<64x128xf32, #tpu.memory_space<vmem>>)
        tpu.yield
      }) : () -> ()
      %dma_wait3A_81 = arith.constant 0 : i32
      %dma_wait3A_82 = tpu.memref_slice %arg3[%dma_wait3A_81] : memref<64000000xf32, #tpu.memory_space<hbm>> -> memref<8192xf32, #tpu.memory_space<hbm>>
      %dma_wait3A_83 = arith.constant 0 : i32
      %dma_wait3A_84 = tpu.memref_slice %arg3[%dma_wait3A_83] : memref<64000000xf32, #tpu.memory_space<hbm>> -> memref<8192xf32, #tpu.memory_space<hbm>>
      tpu.wait_dma2 semaphore(%arg11 : memref<!tpu.dma_semaphore, #tpu.memory_space<semaphore_mem>>) src(%arg7 : memref<8192xf32, #tpu.memory_space<vmem>>) dst(%dma_wait3A_84 : memref<8192xf32, #tpu.memory_space<hbm>>)
      %parallel_loop3A_85 = arith.constant 0 : i32
      %parallel_loop3A_86 = arith.constant 128 : i32
      %parallel_loop3A_87 = arith.constant 1 : i32
      scf.for %parallel_loop3A_99 = %parallel_loop3A_85 to %parallel_loop3A_86 step %parallel_loop3A_87  : i32 {
        %parallel_loop3A_100 = arith.constant 16 : i32
        %parallel_loop3A_101 = arith.divsi %parallel_loop3A_99, %parallel_loop3A_100 : i32
        %parallel_loop3A_102 = arith.constant 0 : i32
        %parallel_loop3A_103 = arith.cmpi sgt, %parallel_loop3A_99, %parallel_loop3A_102 : i32
        %parallel_loop3A_104 = arith.extui %parallel_loop3A_103 : i1 to i32
        %parallel_loop3A_105 = arith.constant 0 : i32
        %parallel_loop3A_106 = arith.cmpi slt, %parallel_loop3A_99, %parallel_loop3A_105 : i32
        %parallel_loop3A_107 = arith.extui %parallel_loop3A_106 : i1 to i32
        %parallel_loop3A_108 = arith.subi %parallel_loop3A_104, %parallel_loop3A_107 : i32
        %parallel_loop3A_109 = arith.constant 0 : i32
        %parallel_loop3A_110 = arith.cmpi sgt, %parallel_loop3A_100, %parallel_loop3A_109 : i32
        %parallel_loop3A_111 = arith.extui %parallel_loop3A_110 : i1 to i32
        %parallel_loop3A_112 = arith.constant 0 : i32
        %parallel_loop3A_113 = arith.cmpi slt, %parallel_loop3A_100, %parallel_loop3A_112 : i32
        %parallel_loop3A_114 = arith.extui %parallel_loop3A_113 : i1 to i32
        %parallel_loop3A_115 = arith.subi %parallel_loop3A_111, %parallel_loop3A_114 : i32
        %parallel_loop3A_116 = arith.cmpi ne, %parallel_loop3A_108, %parallel_loop3A_115 : i32
        %parallel_loop3A_117 = arith.remsi %parallel_loop3A_99, %parallel_loop3A_100 : i32
        %parallel_loop3A_118 = arith.constant 0 : i32
        %parallel_loop3A_119 = arith.cmpi ne, %parallel_loop3A_117, %parallel_loop3A_118 : i32
        %parallel_loop3A_120 = arith.andi %parallel_loop3A_116, %parallel_loop3A_119 : i1
        %parallel_loop3A_121 = arith.constant 1 : i32
        %parallel_loop3A_122 = arith.subi %parallel_loop3A_101, %parallel_loop3A_121 : i32
        %parallel_loop3A_123 = arith.select %parallel_loop3A_120, %parallel_loop3A_122, %parallel_loop3A_101 : i32
        %parallel_loop3A_124 = arith.constant 16 : i32
        %parallel_loop3A_125 = arith.muli %parallel_loop3A_123, %parallel_loop3A_124 : i32
        %parallel_loop3A_126 = arith.constant 16 : i32
        %parallel_loop3A_127 = arith.constant 0 : i32
        %parallel_loop3A_128 = arith.cmpi eq, %parallel_loop3A_126, %parallel_loop3A_127 : i32
        %parallel_loop3A_129 = arith.constant 1 : i32
        %parallel_loop3A_130 = arith.select %parallel_loop3A_128, %parallel_loop3A_129, %parallel_loop3A_126 : i32
        %parallel_loop3A_131 = arith.remsi %parallel_loop3A_99, %parallel_loop3A_130 : i32
        %parallel_loop3A_132 = arith.constant 0 : i32
        %parallel_loop3A_133 = arith.cmpi ne, %parallel_loop3A_131, %parallel_loop3A_132 : i32
        %parallel_loop3A_134 = arith.constant 0 : i32
        %parallel_loop3A_135 = arith.cmpi slt, %parallel_loop3A_131, %parallel_loop3A_134 : i32
        %parallel_loop3A_136 = arith.constant 0 : i32
        %parallel_loop3A_137 = arith.cmpi slt, %parallel_loop3A_130, %parallel_loop3A_136 : i32
        %parallel_loop3A_138 = arith.xori %parallel_loop3A_135, %parallel_loop3A_137 : i1
        %parallel_loop3A_139 = arith.andi %parallel_loop3A_138, %parallel_loop3A_133 : i1
        %parallel_loop3A_140 = arith.addi %parallel_loop3A_131, %parallel_loop3A_130 : i32
        %parallel_loop3A_141 = arith.select %parallel_loop3A_139, %parallel_loop3A_140, %parallel_loop3A_131 : i32
        %parallel_loop3A_142 = vector.broadcast %parallel_loop3A_141 : i32 to vector<16xi32>
        %parallel_loop3A_143 = arith.addi %iota3A, %parallel_loop3A_142 : vector<16xi32>
        %parallel_loop3A_144 = arith.constant 15 : i32
        %parallel_loop3A_145 = vector.broadcast %parallel_loop3A_144 : i32 to vector<16xi32>
        %parallel_loop3A_146 = arith.andi %parallel_loop3A_143, %parallel_loop3A_145 : vector<16xi32>
        %parallel_loop3A_147 = vector.broadcast %parallel_loop3A_125 : i32 to vector<16xi32>
        %parallel_loop3A_148 = arith.addi %parallel_loop3A_147, %iota3A : vector<16xi32>
        %parallel_loop3A_149 = arith.addi %mul3A_3, %parallel_loop3A_146 : vector<16xi32>
        %parallel_loop3A_150 = arith.constant 64 : i32
        %parallel_loop3A_151 = arith.muli %parallel_loop3A_125, %parallel_loop3A_150 : i32
        %parallel_loop3A_152 = vector.broadcast %parallel_loop3A_151 : i32 to vector<16xi32>
        %parallel_loop3A_153 = arith.addi %parallel_loop3A_149, %parallel_loop3A_152 : vector<16xi32>
        %parallel_loop3A_154 = arith.constant 0 : i32
        %parallel_loop3A_155 = vector.broadcast %parallel_loop3A_154 : i32 to vector<16xi32>
        %parallel_loop3A_156 = arith.addi %parallel_loop3A_155, %parallel_loop3A_146 : vector<16xi32>
        %parallel_loop3A_157 = tpu.vector_load_idx %arg5[%parallel_loop3A_156, %parallel_loop3A_148] : memref<64x128xf32, #tpu.memory_space<vmem>>[vector<16xi32>, vector<16xi32>], vector<16xf32>,
        %parallel_loop3A_158 = arith.constant 0 : i32
        %parallel_loop3A_159 = vector.broadcast %parallel_loop3A_158 : i32 to vector<16xi32>
        %parallel_loop3A_160 = arith.addi %parallel_loop3A_153, %parallel_loop3A_159 : vector<16xi32>
        tpu.vector_store_idx %arg7[%parallel_loop3A_160], %parallel_loop3A_157 : memref<8192xf32, #tpu.memory_space<vmem>>[vector<16xi32>], vector<16xf32>,
        %parallel_loop3A_161 = arith.constant 16 : i32
        %parallel_loop3A_162 = vector.broadcast %parallel_loop3A_161 : i32 to vector<16xi32>
        %parallel_loop3A_163 = arith.addi %parallel_loop3A_162, %parallel_loop3A_146 : vector<16xi32>
        %parallel_loop3A_164 = tpu.vector_load_idx %arg5[%parallel_loop3A_163, %parallel_loop3A_148] : memref<64x128xf32, #tpu.memory_space<vmem>>[vector<16xi32>, vector<16xi32>], vector<16xf32>,
        %parallel_loop3A_165 = arith.constant 16 : i32
        %parallel_loop3A_166 = vector.broadcast %parallel_loop3A_165 : i32 to vector<16xi32>
        %parallel_loop3A_167 = arith.addi %parallel_loop3A_153, %parallel_loop3A_166 : vector<16xi32>
        tpu.vector_store_idx %arg7[%parallel_loop3A_167], %parallel_loop3A_164 : memref<8192xf32, #tpu.memory_space<vmem>>[vector<16xi32>], vector<16xf32>,
        %parallel_loop3A_168 = arith.constant 32 : i32
        %parallel_loop3A_169 = vector.broadcast %parallel_loop3A_168 : i32 to vector<16xi32>
        %parallel_loop3A_170 = arith.addi %parallel_loop3A_169, %parallel_loop3A_146 : vector<16xi32>
        %parallel_loop3A_171 = tpu.vector_load_idx %arg5[%parallel_loop3A_170, %parallel_loop3A_148] : memref<64x128xf32, #tpu.memory_space<vmem>>[vector<16xi32>, vector<16xi32>], vector<16xf32>,
        %parallel_loop3A_172 = arith.constant 32 : i32
        %parallel_loop3A_173 = vector.broadcast %parallel_loop3A_172 : i32 to vector<16xi32>
        %parallel_loop3A_174 = arith.addi %parallel_loop3A_153, %parallel_loop3A_173 : vector<16xi32>
        tpu.vector_store_idx %arg7[%parallel_loop3A_174], %parallel_loop3A_171 : memref<8192xf32, #tpu.memory_space<vmem>>[vector<16xi32>], vector<16xf32>,
        %parallel_loop3A_175 = arith.constant 48 : i32
        %parallel_loop3A_176 = vector.broadcast %parallel_loop3A_175 : i32 to vector<16xi32>
        %parallel_loop3A_177 = arith.addi %parallel_loop3A_176, %parallel_loop3A_146 : vector<16xi32>
        %parallel_loop3A_178 = tpu.vector_load_idx %arg5[%parallel_loop3A_177, %parallel_loop3A_148] : memref<64x128xf32, #tpu.memory_space<vmem>>[vector<16xi32>, vector<16xi32>], vector<16xf32>,
        %parallel_loop3A_179 = arith.constant 48 : i32
        %parallel_loop3A_180 = vector.broadcast %parallel_loop3A_179 : i32 to vector<16xi32>
        %parallel_loop3A_181 = arith.addi %parallel_loop3A_153, %parallel_loop3A_180 : vector<16xi32>
        tpu.vector_store_idx %arg7[%parallel_loop3A_181], %parallel_loop3A_178 : memref<8192xf32, #tpu.memory_space<vmem>>[vector<16xi32>], vector<16xf32>,
      } {sc.loop_unroll_factor = 2 : i64, sc.parallel_access}
      %mul3A_88 = arith.constant 245 : i32
      %mul3A_89 = arith.muli %add3A, %mul3A_88 : i32
      %add3A_90 = arith.addi %mul3A_89, %add3A_73 : i32
      %min3A_91 = arith.constant 7811 : i32
      %min3A_92 = arith.minsi %add3A_90, %min3A_91 : i32
      %mul3A_93 = arith.constant 128 : i32
      %mul3A_94 = arith.muli %min3A_92, %mul3A_93 : i32
      %mul3A_95 = arith.constant 64 : i32
      %mul3A_96 = arith.muli %mul3A_94, %mul3A_95 : i32
      %dma_start3A_97 = tpu.memref_slice %arg3[%mul3A_96] : memref<64000000xf32, #tpu.memory_space<hbm>> -> memref<8192xf32, #tpu.memory_space<hbm>>
      %dma_start3A_98 = tpu.memref_slice %arg3[%mul3A_96] : memref<64000000xf32, #tpu.memory_space<hbm>> -> memref<8192xf32, #tpu.memory_space<hbm>>
      tpu.enqueue_dma source(%arg7 : memref<8192xf32, #tpu.memory_space<vmem>>) target(%dma_start3A_98 : memref<8192xf32, #tpu.memory_space<hbm>>) target_semaphore(%arg11 : memref<!tpu.dma_semaphore, #tpu.memory_space<semaphore_mem>>)
    }
    %scan3A_30 = arith.constant 123 : i32
    %dma_wait3A = arith.constant 0 : i32
    %dma_wait3A_31 = tpu.memref_slice %arg3[%dma_wait3A] : memref<64000000xf32, #tpu.memory_space<hbm>> -> memref<8192xf32, #tpu.memory_space<hbm>>
    %dma_wait3A_32 = arith.constant 0 : i32
    %dma_wait3A_33 = tpu.memref_slice %arg3[%dma_wait3A_32] : memref<64000000xf32, #tpu.memory_space<hbm>> -> memref<8192xf32, #tpu.memory_space<hbm>>
    tpu.wait_dma2 semaphore(%arg10 : memref<!tpu.dma_semaphore, #tpu.memory_space<semaphore_mem>>) src(%arg6 : memref<8192xf32, #tpu.memory_space<vmem>>) dst(%dma_wait3A_33 : memref<8192xf32, #tpu.memory_space<hbm>>)
    %dma_wait3A_34 = arith.constant 0 : i32
    %dma_wait3A_35 = tpu.memref_slice %arg3[%dma_wait3A_34] : memref<64000000xf32, #tpu.memory_space<hbm>> -> memref<8192xf32, #tpu.memory_space<hbm>>
    %dma_wait3A_36 = arith.constant 0 : i32
    %dma_wait3A_37 = tpu.memref_slice %arg3[%dma_wait3A_36] : memref<64000000xf32, #tpu.memory_space<hbm>> -> memref<8192xf32, #tpu.memory_space<hbm>>
    tpu.wait_dma2 semaphore(%arg11 : memref<!tpu.dma_semaphore, #tpu.memory_space<semaphore_mem>>) src(%arg7 : memref<8192xf32, #tpu.memory_space<vmem>>) dst(%dma_wait3A_37 : memref<8192xf32, #tpu.memory_space<hbm>>)
    "tpu.region"() ({
      %run_scoped3A = tpu.sem_alloc : memref<!tpu.dma_semaphore, #tpu.memory_space<semaphore_mem>>
      %dma_start3A_40 = arith.constant 0 : i32
      %dma_start3A_41 = arith.constant 999936 : i32
      %dma_start3A_42 = tpu.memref_slice %arg2[%dma_start3A_40, %dma_start3A_41] : memref<64x1000000xf32, #tpu.memory_space<hbm>> -> memref<64x64xf32, #tpu.memory_space<hbm>>
      %dma_start3A_43 = arith.constant 0 : i32
      %dma_start3A_44 = arith.constant 999936 : i32
      %dma_start3A_45 = tpu.memref_slice %arg2[%dma_start3A_43, %dma_start3A_44] : memref<64x1000000xf32, #tpu.memory_space<hbm>> -> memref<64x64xf32, #tpu.memory_space<hbm>>
      tpu.enqueue_dma source(%dma_start3A_45 : memref<64x64xf32, #tpu.memory_space<hbm>>) target(%arg8 : memref<64x64xf32, #tpu.memory_space<vmem>>) target_semaphore(%run_scoped3A : memref<!tpu.dma_semaphore, #tpu.memory_space<semaphore_mem>>)
      %dma_wait3A_46 = arith.constant 0 : i32
      %dma_wait3A_47 = arith.constant 999936 : i32
      %dma_wait3A_48 = tpu.memref_slice %arg2[%dma_wait3A_46, %dma_wait3A_47] : memref<64x1000000xf32, #tpu.memory_space<hbm>> -> memref<64x64xf32, #tpu.memory_space<hbm>>
      %dma_wait3A_49 = arith.constant 0 : i32
      %dma_wait3A_50 = arith.constant 999936 : i32
      %dma_wait3A_51 = tpu.memref_slice %arg2[%dma_wait3A_49, %dma_wait3A_50] : memref<64x1000000xf32, #tpu.memory_space<hbm>> -> memref<64x64xf32, #tpu.memory_space<hbm>>
      tpu.wait_dma2 semaphore(%run_scoped3A : memref<!tpu.dma_semaphore, #tpu.memory_space<semaphore_mem>>) src(%dma_wait3A_51 : memref<64x64xf32, #tpu.memory_space<hbm>>) dst(%arg8 : memref<64x64xf32, #tpu.memory_space<vmem>>)
      tpu.yield
    }) : () -> ()
    %parallel_loop3A = arith.constant 0 : i32
    %parallel_loop3A_38 = arith.constant 64 : i32
    %parallel_loop3A_39 = arith.constant 1 : i32
    scf.for %parallel_loop3A_40 = %parallel_loop3A to %parallel_loop3A_38 step %parallel_loop3A_39  : i32 {
      %parallel_loop3A_41 = arith.constant 16 : i32
      %parallel_loop3A_42 = arith.divsi %parallel_loop3A_40, %parallel_loop3A_41 : i32
      %parallel_loop3A_43 = arith.constant 0 : i32
      %parallel_loop3A_44 = arith.cmpi sgt, %parallel_loop3A_40, %parallel_loop3A_43 : i32
      %parallel_loop3A_45 = arith.extui %parallel_loop3A_44 : i1 to i32
      %parallel_loop3A_46 = arith.constant 0 : i32
      %parallel_loop3A_47 = arith.cmpi slt, %parallel_loop3A_40, %parallel_loop3A_46 : i32
      %parallel_loop3A_48 = arith.extui %parallel_loop3A_47 : i1 to i32
      %parallel_loop3A_49 = arith.subi %parallel_loop3A_45, %parallel_loop3A_48 : i32
      %parallel_loop3A_50 = arith.constant 0 : i32
      %parallel_loop3A_51 = arith.cmpi sgt, %parallel_loop3A_41, %parallel_loop3A_50 : i32
      %parallel_loop3A_52 = arith.extui %parallel_loop3A_51 : i1 to i32
      %parallel_loop3A_53 = arith.constant 0 : i32
      %parallel_loop3A_54 = arith.cmpi slt, %parallel_loop3A_41, %parallel_loop3A_53 : i32
      %parallel_loop3A_55 = arith.extui %parallel_loop3A_54 : i1 to i32
      %parallel_loop3A_56 = arith.subi %parallel_loop3A_52, %parallel_loop3A_55 : i32
      %parallel_loop3A_57 = arith.cmpi ne, %parallel_loop3A_49, %parallel_loop3A_56 : i32
      %parallel_loop3A_58 = arith.remsi %parallel_loop3A_40, %parallel_loop3A_41 : i32
      %parallel_loop3A_59 = arith.constant 0 : i32
      %parallel_loop3A_60 = arith.cmpi ne, %parallel_loop3A_58, %parallel_loop3A_59 : i32
      %parallel_loop3A_61 = arith.andi %parallel_loop3A_57, %parallel_loop3A_60 : i1
      %parallel_loop3A_62 = arith.constant 1 : i32
      %parallel_loop3A_63 = arith.subi %parallel_loop3A_42, %parallel_loop3A_62 : i32
      %parallel_loop3A_64 = arith.select %parallel_loop3A_61, %parallel_loop3A_63, %parallel_loop3A_42 : i32
      %parallel_loop3A_65 = arith.constant 16 : i32
      %parallel_loop3A_66 = arith.muli %parallel_loop3A_64, %parallel_loop3A_65 : i32
      %parallel_loop3A_67 = arith.constant 16 : i32
      %parallel_loop3A_68 = arith.constant 0 : i32
      %parallel_loop3A_69 = arith.cmpi eq, %parallel_loop3A_67, %parallel_loop3A_68 : i32
      %parallel_loop3A_70 = arith.constant 1 : i32
      %parallel_loop3A_71 = arith.select %parallel_loop3A_69, %parallel_loop3A_70, %parallel_loop3A_67 : i32
      %parallel_loop3A_72 = arith.remsi %parallel_loop3A_40, %parallel_loop3A_71 : i32
      %parallel_loop3A_73 = arith.constant 0 : i32
      %parallel_loop3A_74 = arith.cmpi ne, %parallel_loop3A_72, %parallel_loop3A_73 : i32
      %parallel_loop3A_75 = arith.constant 0 : i32
      %parallel_loop3A_76 = arith.cmpi slt, %parallel_loop3A_72, %parallel_loop3A_75 : i32
      %parallel_loop3A_77 = arith.constant 0 : i32
      %parallel_loop3A_78 = arith.cmpi slt, %parallel_loop3A_71, %parallel_loop3A_77 : i32
      %parallel_loop3A_79 = arith.xori %parallel_loop3A_76, %parallel_loop3A_78 : i1
      %parallel_loop3A_80 = arith.andi %parallel_loop3A_79, %parallel_loop3A_74 : i1
      %parallel_loop3A_81 = arith.addi %parallel_loop3A_72, %parallel_loop3A_71 : i32
      %parallel_loop3A_82 = arith.select %parallel_loop3A_80, %parallel_loop3A_81, %parallel_loop3A_72 : i32
      %parallel_loop3A_83 = vector.broadcast %parallel_loop3A_82 : i32 to vector<16xi32>
      %parallel_loop3A_84 = arith.addi %iota3A, %parallel_loop3A_83 : vector<16xi32>
      %parallel_loop3A_85 = arith.constant 15 : i32
      %parallel_loop3A_86 = vector.broadcast %parallel_loop3A_85 : i32 to vector<16xi32>
      %parallel_loop3A_87 = arith.andi %parallel_loop3A_84, %parallel_loop3A_86 : vector<16xi32>
      %parallel_loop3A_88 = vector.broadcast %parallel_loop3A_66 : i32 to vector<16xi32>
      %parallel_loop3A_89 = arith.addi %parallel_loop3A_88, %iota3A : vector<16xi32>
      %parallel_loop3A_90 = arith.addi %mul3A_3, %parallel_loop3A_87 : vector<16xi32>
      %parallel_loop3A_91 = arith.constant 64 : i32
      %parallel_loop3A_92 = arith.muli %parallel_loop3A_66, %parallel_loop3A_91 : i32
      %parallel_loop3A_93 = vector.broadcast %parallel_loop3A_92 : i32 to vector<16xi32>
      %parallel_loop3A_94 = arith.addi %parallel_loop3A_90, %parallel_loop3A_93 : vector<16xi32>
      %parallel_loop3A_95 = arith.constant 0 : i32
      %parallel_loop3A_96 = vector.broadcast %parallel_loop3A_95 : i32 to vector<16xi32>
      %parallel_loop3A_97 = arith.addi %parallel_loop3A_96, %parallel_loop3A_87 : vector<16xi32>
      %parallel_loop3A_98 = tpu.vector_load_idx %arg8[%parallel_loop3A_97, %parallel_loop3A_89] : memref<64x64xf32, #tpu.memory_space<vmem>>[vector<16xi32>, vector<16xi32>], vector<16xf32>,
      %parallel_loop3A_99 = arith.constant 0 : i32
      %parallel_loop3A_100 = vector.broadcast %parallel_loop3A_99 : i32 to vector<16xi32>
      %parallel_loop3A_101 = arith.addi %parallel_loop3A_94, %parallel_loop3A_100 : vector<16xi32>
      tpu.vector_store_idx %arg9[%parallel_loop3A_101], %parallel_loop3A_98 : memref<4096xf32, #tpu.memory_space<vmem>>[vector<16xi32>], vector<16xf32>,
      %parallel_loop3A_102 = arith.constant 16 : i32
      %parallel_loop3A_103 = vector.broadcast %parallel_loop3A_102 : i32 to vector<16xi32>
      %parallel_loop3A_104 = arith.addi %parallel_loop3A_103, %parallel_loop3A_87 : vector<16xi32>
      %parallel_loop3A_105 = tpu.vector_load_idx %arg8[%parallel_loop3A_104, %parallel_loop3A_89] : memref<64x64xf32, #tpu.memory_space<vmem>>[vector<16xi32>, vector<16xi32>], vector<16xf32>,
      %parallel_loop3A_106 = arith.constant 16 : i32
      %parallel_loop3A_107 = vector.broadcast %parallel_loop3A_106 : i32 to vector<16xi32>
      %parallel_loop3A_108 = arith.addi %parallel_loop3A_94, %parallel_loop3A_107 : vector<16xi32>
      tpu.vector_store_idx %arg9[%parallel_loop3A_108], %parallel_loop3A_105 : memref<4096xf32, #tpu.memory_space<vmem>>[vector<16xi32>], vector<16xf32>,
      %parallel_loop3A_109 = arith.constant 32 : i32
      %parallel_loop3A_110 = vector.broadcast %parallel_loop3A_109 : i32 to vector<16xi32>
      %parallel_loop3A_111 = arith.addi %parallel_loop3A_110, %parallel_loop3A_87 : vector<16xi32>
      %parallel_loop3A_112 = tpu.vector_load_idx %arg8[%parallel_loop3A_111, %parallel_loop3A_89] : memref<64x64xf32, #tpu.memory_space<vmem>>[vector<16xi32>, vector<16xi32>], vector<16xf32>,
      %parallel_loop3A_113 = arith.constant 32 : i32
      %parallel_loop3A_114 = vector.broadcast %parallel_loop3A_113 : i32 to vector<16xi32>
      %parallel_loop3A_115 = arith.addi %parallel_loop3A_94, %parallel_loop3A_114 : vector<16xi32>
      tpu.vector_store_idx %arg9[%parallel_loop3A_115], %parallel_loop3A_112 : memref<4096xf32, #tpu.memory_space<vmem>>[vector<16xi32>], vector<16xf32>,
      %parallel_loop3A_116 = arith.constant 48 : i32
      %parallel_loop3A_117 = vector.broadcast %parallel_loop3A_116 : i32 to vector<16xi32>
      %parallel_loop3A_118 = arith.addi %parallel_loop3A_117, %parallel_loop3A_87 : vector<16xi32>
      %parallel_loop3A_119 = tpu.vector_load_idx %arg8[%parallel_loop3A_118, %parallel_loop3A_89] : memref<64x64xf32, #tpu.memory_space<vmem>>[vector<16xi32>, vector<16xi32>], vector<16xf32>,
      %parallel_loop3A_120 = arith.constant 48 : i32
      %parallel_loop3A_121 = vector.broadcast %parallel_loop3A_120 : i32 to vector<16xi32>
      %parallel_loop3A_122 = arith.addi %parallel_loop3A_94, %parallel_loop3A_121 : vector<16xi32>
      tpu.vector_store_idx %arg9[%parallel_loop3A_122], %parallel_loop3A_119 : memref<4096xf32, #tpu.memory_space<vmem>>[vector<16xi32>], vector<16xf32>,
    } {sc.loop_unroll_factor = 2 : i64, sc.parallel_access}
    "tpu.region"() ({
      %run_scoped3A = tpu.sem_alloc : memref<!tpu.dma_semaphore, #tpu.memory_space<semaphore_mem>>
      %dma_start3A_40 = arith.constant 63995904 : i32
      %dma_start3A_41 = tpu.memref_slice %arg3[%dma_start3A_40] : memref<64000000xf32, #tpu.memory_space<hbm>> -> memref<4096xf32, #tpu.memory_space<hbm>>
      %dma_start3A_42 = arith.constant 63995904 : i32
      %dma_start3A_43 = tpu.memref_slice %arg3[%dma_start3A_42] : memref<64000000xf32, #tpu.memory_space<hbm>> -> memref<4096xf32, #tpu.memory_space<hbm>>
      tpu.enqueue_dma source(%arg9 : memref<4096xf32, #tpu.memory_space<vmem>>) target(%dma_start3A_43 : memref<4096xf32, #tpu.memory_space<hbm>>) target_semaphore(%run_scoped3A : memref<!tpu.dma_semaphore, #tpu.memory_space<semaphore_mem>>)
      %dma_wait3A_44 = arith.constant 63995904 : i32
      %dma_wait3A_45 = tpu.memref_slice %arg3[%dma_wait3A_44] : memref<64000000xf32, #tpu.memory_space<hbm>> -> memref<4096xf32, #tpu.memory_space<hbm>>
      %dma_wait3A_46 = arith.constant 63995904 : i32
      %dma_wait3A_47 = tpu.memref_slice %arg3[%dma_wait3A_46] : memref<64000000xf32, #tpu.memory_space<hbm>> -> memref<4096xf32, #tpu.memory_space<hbm>>
      tpu.wait_dma2 semaphore(%run_scoped3A : memref<!tpu.dma_semaphore, #tpu.memory_space<semaphore_mem>>) src(%arg9 : memref<4096xf32, #tpu.memory_space<vmem>>) dst(%dma_wait3A_47 : memref<4096xf32, #tpu.memory_space<hbm>>)
      tpu.yield
    }) : () -> ()
    return
  }
}

#map = affine_map<(d0, d1) -> (0, 0)>
module attributes {stable_mosaic.version = 14 : i64} {
  func.func @lookup_kernel(%arg0: i32, %arg1: i32, %arg2: memref<50x16384xi32, #tpu.memory_space<hbm>>, %arg3: memref<1000000x64xf32, #tpu.memory_space<hbm>>, %arg4: memref<409600x128xf32, #tpu.memory_space<hbm>>, %arg5: memref<50x512xi32, #tpu.memory_space<vmem>>, %arg6: memref<2x128x64xf32, #tpu.memory_space<vmem>>, %arg7: memref<2x64x129xf32, #tpu.memory_space<vmem>>, %arg8: memref<!tpu.dma_semaphore, #tpu.memory_space<semaphore_mem>>, %arg9: memref<!tpu.dma_semaphore, #tpu.memory_space<semaphore_mem>>) attributes {dimension_semantics = [#tpu.dimension_semantics<core_parallel>, #tpu.dimension_semantics<subcore_parallel>], iteration_bounds = array<i64: 2, 16>, scalar_prefetch = 0 : i64, scratch_operands = 5 : i64, tpu.core_type = #tpu.core_type<sc_vector_subcore>, window_params = [{transform_indices = #map}, {transform_indices = #map}, {transform_indices = #map}]} {
    %mul3A = arith.constant 2 : i32
    %mul3A_0 = arith.muli %arg1, %mul3A : i32
    %add3A = arith.addi %mul3A_0, %arg0 : i32
    %mul3A_1 = arith.constant 512 : i32
    %mul3A_2 = arith.muli %add3A, %mul3A_1 : i32
    "tpu.region"() ({
      %run_scoped3A = tpu.sem_alloc : memref<!tpu.dma_semaphore, #tpu.memory_space<semaphore_mem>>
      %dma_start3A_239 = arith.constant 0 : i32
      %dma_start3A_240 = tpu.memref_slice %arg2[%dma_start3A_239, %mul3A_2] : memref<50x16384xi32, #tpu.memory_space<hbm>> -> memref<50x512xi32, #tpu.memory_space<hbm>>
      %dma_start3A_241 = arith.constant 0 : i32
      %dma_start3A_242 = tpu.memref_slice %arg2[%dma_start3A_241, %mul3A_2] : memref<50x16384xi32, #tpu.memory_space<hbm>> -> memref<50x512xi32, #tpu.memory_space<hbm>>
      tpu.enqueue_dma source(%dma_start3A_242 : memref<50x512xi32, #tpu.memory_space<hbm>>) target(%arg5 : memref<50x512xi32, #tpu.memory_space<vmem>>) target_semaphore(%run_scoped3A : memref<!tpu.dma_semaphore, #tpu.memory_space<semaphore_mem>>)
      %dma_wait3A_243 = arith.constant 0 : i32
      %dma_wait3A_244 = tpu.memref_slice %arg2[%dma_wait3A_243, %mul3A_2] : memref<50x16384xi32, #tpu.memory_space<hbm>> -> memref<50x512xi32, #tpu.memory_space<hbm>>
      %dma_wait3A_245 = arith.constant 0 : i32
      %dma_wait3A_246 = tpu.memref_slice %arg2[%dma_wait3A_245, %mul3A_2] : memref<50x16384xi32, #tpu.memory_space<hbm>> -> memref<50x512xi32, #tpu.memory_space<hbm>>
      tpu.wait_dma2 semaphore(%run_scoped3A : memref<!tpu.dma_semaphore, #tpu.memory_space<semaphore_mem>>) src(%dma_wait3A_246 : memref<50x512xi32, #tpu.memory_space<hbm>>) dst(%arg5 : memref<50x512xi32, #tpu.memory_space<vmem>>)
      tpu.yield
    }) : () -> ()
    %iota3A = tpu.iota {dimensions = array<i32: 0>} : vector<16xi32>
    %div3A = arith.constant 0 : i32
    %div3A_3 = arith.constant 4 : i32
    %div3A_4 = arith.divsi %div3A, %div3A_3 : i32
    %rem3A = arith.constant 0 : i32
    %rem3A_5 = arith.constant 4 : i32
    %rem3A_6 = arith.remsi %rem3A, %rem3A_5 : i32
    %mul3A_7 = arith.constant 128 : i32
    %mul3A_8 = arith.muli %rem3A_6, %mul3A_7 : i32
    %dma_start3A = arith.constant 0 : i32
    %dma_start3A_9 = arith.constant 0 : i32
    %dma_start3A_10 = arith.constant 0 : i32
    %dma_start3A_11 = tpu.memref_slice %arg6[%dma_start3A, %dma_start3A_9, %dma_start3A_10] : memref<2x128x64xf32, #tpu.memory_space<vmem>> -> memref<1x128x64xf32, #tpu.memory_space<vmem>>
    %dma_start3A_12 = tpu.memref_squeeze %dma_start3A_11 : memref<1x128x64xf32, #tpu.memory_space<vmem>> -> memref<128x64xf32, #tpu.memory_space<vmem>>
    %dma_start3A_13 = tpu.memref_slice %arg5[%div3A_4, %mul3A_8] : memref<50x512xi32, #tpu.memory_space<vmem>> -> memref<1x128xi32, #tpu.memory_space<vmem>>
    %dma_start3A_14 = tpu.memref_squeeze %dma_start3A_13 : memref<1x128xi32, #tpu.memory_space<vmem>> -> memref<128xi32, #tpu.memory_space<vmem>>
    %dma_start3A_15 = arith.constant 0 : i32
    %dma_start3A_16 = arith.constant 0 : i32
    %dma_start3A_17 = tpu.memref_slice %arg3[%dma_start3A_15, %dma_start3A_16] : memref<1000000x64xf32, #tpu.memory_space<hbm>> -> memref<1000000x64xf32, #tpu.memory_space<hbm>>
    tpu.enqueue_indirect_dma source(%dma_start3A_17 : memref<1000000x64xf32, #tpu.memory_space<hbm>>) target(%dma_start3A_12 : memref<128x64xf32, #tpu.memory_space<vmem>>) offsets(%dma_start3A_14 : memref<128xi32, #tpu.memory_space<vmem>>) semaphore(%arg8 : memref<!tpu.dma_semaphore, #tpu.memory_space<semaphore_mem>>)
    %div3A_18 = arith.constant 0 : i32
    %div3A_19 = arith.constant 4 : i32
    %div3A_20 = arith.divsi %div3A_18, %div3A_19 : i32
    %rem3A_21 = arith.constant 0 : i32
    %rem3A_22 = arith.constant 4 : i32
    %rem3A_23 = arith.remsi %rem3A_21, %rem3A_22 : i32
    %mul3A_24 = arith.constant 4 : i32
    %mul3A_25 = arith.muli %add3A, %mul3A_24 : i32
    %add3A_26 = arith.addi %mul3A_25, %rem3A_23 : i32
    %mul3A_27 = arith.constant 8 : i32
    %mul3A_28 = arith.muli %div3A_20, %mul3A_27 : i32
    %add3A_29 = arith.constant 0 : i32
    %add3A_30 = arith.addi %mul3A_28, %add3A_29 : i32
    %mul3A_31 = arith.constant 128 : i32
    %mul3A_32 = arith.muli %add3A_30, %mul3A_31 : i32
    %add3A_33 = arith.addi %mul3A_32, %add3A_26 : i32
    %mul3A_34 = arith.constant 8 : i32
    %mul3A_35 = arith.muli %add3A_33, %mul3A_34 : i32
    %dma_start3A_36 = arith.constant 1 : i32
    %dma_start3A_37 = arith.constant 0 : i32
    %dma_start3A_38 = arith.constant 0 : i32
    %dma_start3A_39 = tpu.memref_slice %arg7[%dma_start3A_36, %dma_start3A_37, %dma_start3A_38] : memref<2x64x129xf32, #tpu.memory_space<vmem>> -> memref<1x8x128xf32, #tpu.memory_space<vmem>>
    %dma_start3A_40 = tpu.memref_squeeze %dma_start3A_39 : memref<1x8x128xf32, #tpu.memory_space<vmem>> -> memref<8x128xf32, #tpu.memory_space<vmem>>
    %dma_start3A_41 = arith.constant 0 : i32
    %dma_start3A_42 = tpu.memref_slice %arg4[%mul3A_35, %dma_start3A_41] : memref<409600x128xf32, #tpu.memory_space<hbm>> -> memref<8x128xf32, #tpu.memory_space<hbm>>
    %dma_start3A_43 = arith.constant 0 : i32
    %dma_start3A_44 = tpu.memref_slice %arg4[%mul3A_35, %dma_start3A_43] : memref<409600x128xf32, #tpu.memory_space<hbm>> -> memref<8x128xf32, #tpu.memory_space<hbm>>
    %dma_start3A_45 = arith.constant 0 : i32
    %dma_start3A_46 = arith.constant 0 : i32
    %dma_start3A_47 = tpu.memref_slice %arg7[%dma_start3A_36, %dma_start3A_45, %dma_start3A_46] : memref<2x64x129xf32, #tpu.memory_space<vmem>> -> memref<1x8x128xf32, #tpu.memory_space<vmem>>
    %dma_start3A_48 = tpu.memref_squeeze %dma_start3A_47 : memref<1x8x128xf32, #tpu.memory_space<vmem>> -> memref<8x128xf32, #tpu.memory_space<vmem>>
    tpu.enqueue_dma source(%dma_start3A_48 : memref<8x128xf32, #tpu.memory_space<vmem>>) target(%dma_start3A_44 : memref<8x128xf32, #tpu.memory_space<hbm>>) target_semaphore(%arg9 : memref<!tpu.dma_semaphore, #tpu.memory_space<semaphore_mem>>)
    %mul3A_49 = arith.constant 8 : i32
    %mul3A_50 = arith.muli %div3A_20, %mul3A_49 : i32
    %add3A_51 = arith.constant 1 : i32
    %add3A_52 = arith.addi %mul3A_50, %add3A_51 : i32
    %mul3A_53 = arith.constant 128 : i32
    %mul3A_54 = arith.muli %add3A_52, %mul3A_53 : i32
    %add3A_55 = arith.addi %mul3A_54, %add3A_26 : i32
    %mul3A_56 = arith.constant 8 : i32
    %mul3A_57 = arith.muli %add3A_55, %mul3A_56 : i32
    %dma_start3A_58 = arith.constant 1 : i32
    %dma_start3A_59 = arith.constant 8 : i32
    %dma_start3A_60 = arith.constant 0 : i32
    %dma_start3A_61 = tpu.memref_slice %arg7[%dma_start3A_58, %dma_start3A_59, %dma_start3A_60] : memref<2x64x129xf32, #tpu.memory_space<vmem>> -> memref<1x8x128xf32, #tpu.memory_space<vmem>>
    %dma_start3A_62 = tpu.memref_squeeze %dma_start3A_61 : memref<1x8x128xf32, #tpu.memory_space<vmem>> -> memref<8x128xf32, #tpu.memory_space<vmem>>
    %dma_start3A_63 = arith.constant 0 : i32
    %dma_start3A_64 = tpu.memref_slice %arg4[%mul3A_57, %dma_start3A_63] : memref<409600x128xf32, #tpu.memory_space<hbm>> -> memref<8x128xf32, #tpu.memory_space<hbm>>
    %dma_start3A_65 = arith.constant 0 : i32
    %dma_start3A_66 = tpu.memref_slice %arg4[%mul3A_57, %dma_start3A_65] : memref<409600x128xf32, #tpu.memory_space<hbm>> -> memref<8x128xf32, #tpu.memory_space<hbm>>
    %dma_start3A_67 = arith.constant 8 : i32
    %dma_start3A_68 = arith.constant 0 : i32
    %dma_start3A_69 = tpu.memref_slice %arg7[%dma_start3A_58, %dma_start3A_67, %dma_start3A_68] : memref<2x64x129xf32, #tpu.memory_space<vmem>> -> memref<1x8x128xf32, #tpu.memory_space<vmem>>
    %dma_start3A_70 = tpu.memref_squeeze %dma_start3A_69 : memref<1x8x128xf32, #tpu.memory_space<vmem>> -> memref<8x128xf32, #tpu.memory_space<vmem>>
    tpu.enqueue_dma source(%dma_start3A_70 : memref<8x128xf32, #tpu.memory_space<vmem>>) target(%dma_start3A_66 : memref<8x128xf32, #tpu.memory_space<hbm>>) target_semaphore(%arg9 : memref<!tpu.dma_semaphore, #tpu.memory_space<semaphore_mem>>)
    %mul3A_71 = arith.constant 8 : i32
    %mul3A_72 = arith.muli %div3A_20, %mul3A_71 : i32
    %add3A_73 = arith.constant 2 : i32
    %add3A_74 = arith.addi %mul3A_72, %add3A_73 : i32
    %mul3A_75 = arith.constant 128 : i32
    %mul3A_76 = arith.muli %add3A_74, %mul3A_75 : i32
    %add3A_77 = arith.addi %mul3A_76, %add3A_26 : i32
    %mul3A_78 = arith.constant 8 : i32
    %mul3A_79 = arith.muli %add3A_77, %mul3A_78 : i32
    %dma_start3A_80 = arith.constant 1 : i32
    %dma_start3A_81 = arith.constant 16 : i32
    %dma_start3A_82 = arith.constant 0 : i32
    %dma_start3A_83 = tpu.memref_slice %arg7[%dma_start3A_80, %dma_start3A_81, %dma_start3A_82] : memref<2x64x129xf32, #tpu.memory_space<vmem>> -> memref<1x8x128xf32, #tpu.memory_space<vmem>>
    %dma_start3A_84 = tpu.memref_squeeze %dma_start3A_83 : memref<1x8x128xf32, #tpu.memory_space<vmem>> -> memref<8x128xf32, #tpu.memory_space<vmem>>
    %dma_start3A_85 = arith.constant 0 : i32
    %dma_start3A_86 = tpu.memref_slice %arg4[%mul3A_79, %dma_start3A_85] : memref<409600x128xf32, #tpu.memory_space<hbm>> -> memref<8x128xf32, #tpu.memory_space<hbm>>
    %dma_start3A_87 = arith.constant 0 : i32
    %dma_start3A_88 = tpu.memref_slice %arg4[%mul3A_79, %dma_start3A_87] : memref<409600x128xf32, #tpu.memory_space<hbm>> -> memref<8x128xf32, #tpu.memory_space<hbm>>
    %dma_start3A_89 = arith.constant 16 : i32
    %dma_start3A_90 = arith.constant 0 : i32
    %dma_start3A_91 = tpu.memref_slice %arg7[%dma_start3A_80, %dma_start3A_89, %dma_start3A_90] : memref<2x64x129xf32, #tpu.memory_space<vmem>> -> memref<1x8x128xf32, #tpu.memory_space<vmem>>
    %dma_start3A_92 = tpu.memref_squeeze %dma_start3A_91 : memref<1x8x128xf32, #tpu.memory_space<vmem>> -> memref<8x128xf32, #tpu.memory_space<vmem>>
    tpu.enqueue_dma source(%dma_start3A_92 : memref<8x128xf32, #tpu.memory_space<vmem>>) target(%dma_start3A_88 : memref<8x128xf32, #tpu.memory_space<hbm>>) target_semaphore(%arg9 : memref<!tpu.dma_semaphore, #tpu.memory_space<semaphore_mem>>)
    %mul3A_93 = arith.constant 8 : i32
    %mul3A_94 = arith.muli %div3A_20, %mul3A_93 : i32
    %add3A_95 = arith.constant 3 : i32
    %add3A_96 = arith.addi %mul3A_94, %add3A_95 : i32
    %mul3A_97 = arith.constant 128 : i32
    %mul3A_98 = arith.muli %add3A_96, %mul3A_97 : i32
    %add3A_99 = arith.addi %mul3A_98, %add3A_26 : i32
    %mul3A_100 = arith.constant 8 : i32
    %mul3A_101 = arith.muli %add3A_99, %mul3A_100 : i32
    %dma_start3A_102 = arith.constant 1 : i32
    %dma_start3A_103 = arith.constant 24 : i32
    %dma_start3A_104 = arith.constant 0 : i32
    %dma_start3A_105 = tpu.memref_slice %arg7[%dma_start3A_102, %dma_start3A_103, %dma_start3A_104] : memref<2x64x129xf32, #tpu.memory_space<vmem>> -> memref<1x8x128xf32, #tpu.memory_space<vmem>>
    %dma_start3A_106 = tpu.memref_squeeze %dma_start3A_105 : memref<1x8x128xf32, #tpu.memory_space<vmem>> -> memref<8x128xf32, #tpu.memory_space<vmem>>
    %dma_start3A_107 = arith.constant 0 : i32
    %dma_start3A_108 = tpu.memref_slice %arg4[%mul3A_101, %dma_start3A_107] : memref<409600x128xf32, #tpu.memory_space<hbm>> -> memref<8x128xf32, #tpu.memory_space<hbm>>
    %dma_start3A_109 = arith.constant 0 : i32
    %dma_start3A_110 = tpu.memref_slice %arg4[%mul3A_101, %dma_start3A_109] : memref<409600x128xf32, #tpu.memory_space<hbm>> -> memref<8x128xf32, #tpu.memory_space<hbm>>
    %dma_start3A_111 = arith.constant 24 : i32
    %dma_start3A_112 = arith.constant 0 : i32
    %dma_start3A_113 = tpu.memref_slice %arg7[%dma_start3A_102, %dma_start3A_111, %dma_start3A_112] : memref<2x64x129xf32, #tpu.memory_space<vmem>> -> memref<1x8x128xf32, #tpu.memory_space<vmem>>
    %dma_start3A_114 = tpu.memref_squeeze %dma_start3A_113 : memref<1x8x128xf32, #tpu.memory_space<vmem>> -> memref<8x128xf32, #tpu.memory_space<vmem>>
    tpu.enqueue_dma source(%dma_start3A_114 : memref<8x128xf32, #tpu.memory_space<vmem>>) target(%dma_start3A_110 : memref<8x128xf32, #tpu.memory_space<hbm>>) target_semaphore(%arg9 : memref<!tpu.dma_semaphore, #tpu.memory_space<semaphore_mem>>)
    %mul3A_115 = arith.constant 8 : i32
    %mul3A_116 = arith.muli %div3A_20, %mul3A_115 : i32
    %add3A_117 = arith.constant 4 : i32
    %add3A_118 = arith.addi %mul3A_116, %add3A_117 : i32
    %mul3A_119 = arith.constant 128 : i32
    %mul3A_120 = arith.muli %add3A_118, %mul3A_119 : i32
    %add3A_121 = arith.addi %mul3A_120, %add3A_26 : i32
    %mul3A_122 = arith.constant 8 : i32
    %mul3A_123 = arith.muli %add3A_121, %mul3A_122 : i32
    %dma_start3A_124 = arith.constant 1 : i32
    %dma_start3A_125 = arith.constant 32 : i32
    %dma_start3A_126 = arith.constant 0 : i32
    %dma_start3A_127 = tpu.memref_slice %arg7[%dma_start3A_124, %dma_start3A_125, %dma_start3A_126] : memref<2x64x129xf32, #tpu.memory_space<vmem>> -> memref<1x8x128xf32, #tpu.memory_space<vmem>>
    %dma_start3A_128 = tpu.memref_squeeze %dma_start3A_127 : memref<1x8x128xf32, #tpu.memory_space<vmem>> -> memref<8x128xf32, #tpu.memory_space<vmem>>
    %dma_start3A_129 = arith.constant 0 : i32
    %dma_start3A_130 = tpu.memref_slice %arg4[%mul3A_123, %dma_start3A_129] : memref<409600x128xf32, #tpu.memory_space<hbm>> -> memref<8x128xf32, #tpu.memory_space<hbm>>
    %dma_start3A_131 = arith.constant 0 : i32
    %dma_start3A_132 = tpu.memref_slice %arg4[%mul3A_123, %dma_start3A_131] : memref<409600x128xf32, #tpu.memory_space<hbm>> -> memref<8x128xf32, #tpu.memory_space<hbm>>
    %dma_start3A_133 = arith.constant 32 : i32
    %dma_start3A_134 = arith.constant 0 : i32
    %dma_start3A_135 = tpu.memref_slice %arg7[%dma_start3A_124, %dma_start3A_133, %dma_start3A_134] : memref<2x64x129xf32, #tpu.memory_space<vmem>> -> memref<1x8x128xf32, #tpu.memory_space<vmem>>
    %dma_start3A_136 = tpu.memref_squeeze %dma_start3A_135 : memref<1x8x128xf32, #tpu.memory_space<vmem>> -> memref<8x128xf32, #tpu.memory_space<vmem>>
    tpu.enqueue_dma source(%dma_start3A_136 : memref<8x128xf32, #tpu.memory_space<vmem>>) target(%dma_start3A_132 : memref<8x128xf32, #tpu.memory_space<hbm>>) target_semaphore(%arg9 : memref<!tpu.dma_semaphore, #tpu.memory_space<semaphore_mem>>)
    %mul3A_137 = arith.constant 8 : i32
    %mul3A_138 = arith.muli %div3A_20, %mul3A_137 : i32
    %add3A_139 = arith.constant 5 : i32
    %add3A_140 = arith.addi %mul3A_138, %add3A_139 : i32
    %mul3A_141 = arith.constant 128 : i32
    %mul3A_142 = arith.muli %add3A_140, %mul3A_141 : i32
    %add3A_143 = arith.addi %mul3A_142, %add3A_26 : i32
    %mul3A_144 = arith.constant 8 : i32
    %mul3A_145 = arith.muli %add3A_143, %mul3A_144 : i32
    %dma_start3A_146 = arith.constant 1 : i32
    %dma_start3A_147 = arith.constant 40 : i32
    %dma_start3A_148 = arith.constant 0 : i32
    %dma_start3A_149 = tpu.memref_slice %arg7[%dma_start3A_146, %dma_start3A_147, %dma_start3A_148] : memref<2x64x129xf32, #tpu.memory_space<vmem>> -> memref<1x8x128xf32, #tpu.memory_space<vmem>>
    %dma_start3A_150 = tpu.memref_squeeze %dma_start3A_149 : memref<1x8x128xf32, #tpu.memory_space<vmem>> -> memref<8x128xf32, #tpu.memory_space<vmem>>
    %dma_start3A_151 = arith.constant 0 : i32
    %dma_start3A_152 = tpu.memref_slice %arg4[%mul3A_145, %dma_start3A_151] : memref<409600x128xf32, #tpu.memory_space<hbm>> -> memref<8x128xf32, #tpu.memory_space<hbm>>
    %dma_start3A_153 = arith.constant 0 : i32
    %dma_start3A_154 = tpu.memref_slice %arg4[%mul3A_145, %dma_start3A_153] : memref<409600x128xf32, #tpu.memory_space<hbm>> -> memref<8x128xf32, #tpu.memory_space<hbm>>
    %dma_start3A_155 = arith.constant 40 : i32
    %dma_start3A_156 = arith.constant 0 : i32
    %dma_start3A_157 = tpu.memref_slice %arg7[%dma_start3A_146, %dma_start3A_155, %dma_start3A_156] : memref<2x64x129xf32, #tpu.memory_space<vmem>> -> memref<1x8x128xf32, #tpu.memory_space<vmem>>
    %dma_start3A_158 = tpu.memref_squeeze %dma_start3A_157 : memref<1x8x128xf32, #tpu.memory_space<vmem>> -> memref<8x128xf32, #tpu.memory_space<vmem>>
    tpu.enqueue_dma source(%dma_start3A_158 : memref<8x128xf32, #tpu.memory_space<vmem>>) target(%dma_start3A_154 : memref<8x128xf32, #tpu.memory_space<hbm>>) target_semaphore(%arg9 : memref<!tpu.dma_semaphore, #tpu.memory_space<semaphore_mem>>)
    %mul3A_159 = arith.constant 8 : i32
    %mul3A_160 = arith.muli %div3A_20, %mul3A_159 : i32
    %add3A_161 = arith.constant 6 : i32
    %add3A_162 = arith.addi %mul3A_160, %add3A_161 : i32
    %mul3A_163 = arith.constant 128 : i32
    %mul3A_164 = arith.muli %add3A_162, %mul3A_163 : i32
    %add3A_165 = arith.addi %mul3A_164, %add3A_26 : i32
    %mul3A_166 = arith.constant 8 : i32
    %mul3A_167 = arith.muli %add3A_165, %mul3A_166 : i32
    %dma_start3A_168 = arith.constant 1 : i32
    %dma_start3A_169 = arith.constant 48 : i32
    %dma_start3A_170 = arith.constant 0 : i32
    %dma_start3A_171 = tpu.memref_slice %arg7[%dma_start3A_168, %dma_start3A_169, %dma_start3A_170] : memref<2x64x129xf32, #tpu.memory_space<vmem>> -> memref<1x8x128xf32, #tpu.memory_space<vmem>>
    %dma_start3A_172 = tpu.memref_squeeze %dma_start3A_171 : memref<1x8x128xf32, #tpu.memory_space<vmem>> -> memref<8x128xf32, #tpu.memory_space<vmem>>
    %dma_start3A_173 = arith.constant 0 : i32
    %dma_start3A_174 = tpu.memref_slice %arg4[%mul3A_167, %dma_start3A_173] : memref<409600x128xf32, #tpu.memory_space<hbm>> -> memref<8x128xf32, #tpu.memory_space<hbm>>
    %dma_start3A_175 = arith.constant 0 : i32
    %dma_start3A_176 = tpu.memref_slice %arg4[%mul3A_167, %dma_start3A_175] : memref<409600x128xf32, #tpu.memory_space<hbm>> -> memref<8x128xf32, #tpu.memory_space<hbm>>
    %dma_start3A_177 = arith.constant 48 : i32
    %dma_start3A_178 = arith.constant 0 : i32
    %dma_start3A_179 = tpu.memref_slice %arg7[%dma_start3A_168, %dma_start3A_177, %dma_start3A_178] : memref<2x64x129xf32, #tpu.memory_space<vmem>> -> memref<1x8x128xf32, #tpu.memory_space<vmem>>
    %dma_start3A_180 = tpu.memref_squeeze %dma_start3A_179 : memref<1x8x128xf32, #tpu.memory_space<vmem>> -> memref<8x128xf32, #tpu.memory_space<vmem>>
    tpu.enqueue_dma source(%dma_start3A_180 : memref<8x128xf32, #tpu.memory_space<vmem>>) target(%dma_start3A_176 : memref<8x128xf32, #tpu.memory_space<hbm>>) target_semaphore(%arg9 : memref<!tpu.dma_semaphore, #tpu.memory_space<semaphore_mem>>)
    %mul3A_181 = arith.constant 8 : i32
    %mul3A_182 = arith.muli %div3A_20, %mul3A_181 : i32
    %add3A_183 = arith.constant 7 : i32
    %add3A_184 = arith.addi %mul3A_182, %add3A_183 : i32
    %mul3A_185 = arith.constant 128 : i32
    %mul3A_186 = arith.muli %add3A_184, %mul3A_185 : i32
    %add3A_187 = arith.addi %mul3A_186, %add3A_26 : i32
    %mul3A_188 = arith.constant 8 : i32
    %mul3A_189 = arith.muli %add3A_187, %mul3A_188 : i32
    %dma_start3A_190 = arith.constant 1 : i32
    %dma_start3A_191 = arith.constant 56 : i32
    %dma_start3A_192 = arith.constant 0 : i32
    %dma_start3A_193 = tpu.memref_slice %arg7[%dma_start3A_190, %dma_start3A_191, %dma_start3A_192] : memref<2x64x129xf32, #tpu.memory_space<vmem>> -> memref<1x8x128xf32, #tpu.memory_space<vmem>>
    %dma_start3A_194 = tpu.memref_squeeze %dma_start3A_193 : memref<1x8x128xf32, #tpu.memory_space<vmem>> -> memref<8x128xf32, #tpu.memory_space<vmem>>
    %dma_start3A_195 = arith.constant 0 : i32
    %dma_start3A_196 = tpu.memref_slice %arg4[%mul3A_189, %dma_start3A_195] : memref<409600x128xf32, #tpu.memory_space<hbm>> -> memref<8x128xf32, #tpu.memory_space<hbm>>
    %dma_start3A_197 = arith.constant 0 : i32
    %dma_start3A_198 = tpu.memref_slice %arg4[%mul3A_189, %dma_start3A_197] : memref<409600x128xf32, #tpu.memory_space<hbm>> -> memref<8x128xf32, #tpu.memory_space<hbm>>
    %dma_start3A_199 = arith.constant 56 : i32
    %dma_start3A_200 = arith.constant 0 : i32
    %dma_start3A_201 = tpu.memref_slice %arg7[%dma_start3A_190, %dma_start3A_199, %dma_start3A_200] : memref<2x64x129xf32, #tpu.memory_space<vmem>> -> memref<1x8x128xf32, #tpu.memory_space<vmem>>
    %dma_start3A_202 = tpu.memref_squeeze %dma_start3A_201 : memref<1x8x128xf32, #tpu.memory_space<vmem>> -> memref<8x128xf32, #tpu.memory_space<vmem>>
    tpu.enqueue_dma source(%dma_start3A_202 : memref<8x128xf32, #tpu.memory_space<vmem>>) target(%dma_start3A_198 : memref<8x128xf32, #tpu.memory_space<hbm>>) target_semaphore(%arg9 : memref<!tpu.dma_semaphore, #tpu.memory_space<semaphore_mem>>)
    %scan3A = arith.constant 0 : i32
    %scan3A_203 = arith.constant 0 : i32
    %scan3A_204 = arith.constant 200 : i32
    %scan3A_205 = arith.addi %scan3A_203, %scan3A_204 : i32
    %scan3A_206 = arith.constant 1 : i32
    scf.for %scan3A_239 = %scan3A_203 to %scan3A_205 step %scan3A_206  : i32 {
      %rem3A_240 = arith.constant 2 : i32
      %rem3A_241 = arith.remsi %scan3A_239, %rem3A_240 : i32
      %sub3A = arith.constant 1 : i32
      %sub3A_242 = arith.subi %sub3A, %rem3A_241 : i32
      %dma_wait3A_243 = arith.constant 0 : i32
      %dma_wait3A_244 = arith.constant 0 : i32
      %dma_wait3A_245 = tpu.memref_slice %arg6[%rem3A_241, %dma_wait3A_243, %dma_wait3A_244] : memref<2x128x64xf32, #tpu.memory_space<vmem>> -> memref<1x128x64xf32, #tpu.memory_space<vmem>>
      %dma_wait3A_246 = tpu.memref_squeeze %dma_wait3A_245 : memref<1x128x64xf32, #tpu.memory_space<vmem>> -> memref<128x64xf32, #tpu.memory_space<vmem>>
      %dma_wait3A_247 = arith.constant 0 : i32
      %dma_wait3A_248 = arith.constant 0 : i32
      %dma_wait3A_249 = tpu.memref_slice %arg3[%dma_wait3A_247, %dma_wait3A_248] : memref<1000000x64xf32, #tpu.memory_space<hbm>> -> memref<128x64xf32, #tpu.memory_space<hbm>>
      %dma_wait3A_250 = arith.constant 0 : i32
      %dma_wait3A_251 = arith.constant 0 : i32
      %dma_wait3A_252 = tpu.memref_slice %arg6[%rem3A_241, %dma_wait3A_250, %dma_wait3A_251] : memref<2x128x64xf32, #tpu.memory_space<vmem>> -> memref<1x128x64xf32, #tpu.memory_space<vmem>>
      %dma_wait3A_253 = tpu.memref_squeeze %dma_wait3A_252 : memref<1x128x64xf32, #tpu.memory_space<vmem>> -> memref<128x64xf32, #tpu.memory_space<vmem>>
      %dma_wait3A_254 = arith.constant 0 : i32
      %dma_wait3A_255 = arith.constant 0 : i32
      %dma_wait3A_256 = tpu.memref_slice %arg3[%dma_wait3A_254, %dma_wait3A_255] : memref<1000000x64xf32, #tpu.memory_space<hbm>> -> memref<128x64xf32, #tpu.memory_space<hbm>>
      tpu.wait_dma2 semaphore(%arg8 : memref<!tpu.dma_semaphore, #tpu.memory_space<semaphore_mem>>) src(%dma_wait3A_256 : memref<128x64xf32, #tpu.memory_space<hbm>>) dst(%dma_wait3A_253 : memref<128x64xf32, #tpu.memory_space<vmem>>)
      %add3A_257 = arith.constant 1 : i32
      %add3A_258 = arith.addi %scan3A_239, %add3A_257 : i32
      %min3A = arith.constant 199 : i32
      %min3A_259 = arith.minsi %add3A_258, %min3A : i32
      %div3A_260 = arith.constant 4 : i32
      %div3A_261 = arith.divsi %min3A_259, %div3A_260 : i32
      %rem3A_262 = arith.constant 4 : i32
      %rem3A_263 = arith.remsi %min3A_259, %rem3A_262 : i32
      %mul3A_264 = arith.constant 128 : i32
      %mul3A_265 = arith.muli %rem3A_263, %mul3A_264 : i32
      %dma_start3A_266 = arith.constant 0 : i32
      %dma_start3A_267 = arith.constant 0 : i32
      %dma_start3A_268 = tpu.memref_slice %arg6[%sub3A_242, %dma_start3A_266, %dma_start3A_267] : memref<2x128x64xf32, #tpu.memory_space<vmem>> -> memref<1x128x64xf32, #tpu.memory_space<vmem>>
      %dma_start3A_269 = tpu.memref_squeeze %dma_start3A_268 : memref<1x128x64xf32, #tpu.memory_space<vmem>> -> memref<128x64xf32, #tpu.memory_space<vmem>>
      %dma_start3A_270 = tpu.memref_slice %arg5[%div3A_261, %mul3A_265] : memref<50x512xi32, #tpu.memory_space<vmem>> -> memref<1x128xi32, #tpu.memory_space<vmem>>
      %dma_start3A_271 = tpu.memref_squeeze %dma_start3A_270 : memref<1x128xi32, #tpu.memory_space<vmem>> -> memref<128xi32, #tpu.memory_space<vmem>>
      %dma_start3A_272 = arith.constant 0 : i32
      %dma_start3A_273 = arith.constant 0 : i32
      %dma_start3A_274 = tpu.memref_slice %arg3[%dma_start3A_272, %dma_start3A_273] : memref<1000000x64xf32, #tpu.memory_space<hbm>> -> memref<1000000x64xf32, #tpu.memory_space<hbm>>
      tpu.enqueue_indirect_dma source(%dma_start3A_274 : memref<1000000x64xf32, #tpu.memory_space<hbm>>) target(%dma_start3A_269 : memref<128x64xf32, #tpu.memory_space<vmem>>) offsets(%dma_start3A_271 : memref<128xi32, #tpu.memory_space<vmem>>) semaphore(%arg8 : memref<!tpu.dma_semaphore, #tpu.memory_space<semaphore_mem>>)
      %parallel_loop3A = arith.constant 0 : i32
      %parallel_loop3A_275 = arith.constant 128 : i32
      %parallel_loop3A_276 = arith.constant 1 : i32
      scf.for %parallel_loop3A_467 = %parallel_loop3A to %parallel_loop3A_275 step %parallel_loop3A_276  : i32 {
        %parallel_loop3A_468 = arith.constant 0 : i32
        %parallel_loop3A_469 = vector.broadcast %parallel_loop3A_468 : i32 to vector<16xi32>
        %parallel_loop3A_470 = vector.broadcast %parallel_loop3A_467 : i32 to vector<16xi32>
        %parallel_loop3A_471 = arith.addi %parallel_loop3A_469, %parallel_loop3A_470 : vector<16xi32>
        %parallel_loop3A_472 = arith.index_cast %rem3A_241 : i32 to index
        %parallel_loop3A_473 = arith.index_cast %parallel_loop3A_467 : i32 to index
        %parallel_loop3A_474 = arith.constant 0 : index
        %parallel_loop3A_475 = tpu.vector_load %arg6[%parallel_loop3A_472, %parallel_loop3A_473, %parallel_loop3A_474] {strides = array<i32>} : memref<2x128x64xf32, #tpu.memory_space<vmem>>, vector<16xf32>,
        %parallel_loop3A_476 = arith.constant 0 : i32
        %parallel_loop3A_477 = vector.broadcast %parallel_loop3A_476 : i32 to vector<16xi32>
        %parallel_loop3A_478 = arith.addi %parallel_loop3A_477, %iota3A : vector<16xi32>
        %parallel_loop3A_479 = arith.constant 0 : i32
        %parallel_loop3A_480 = arith.constant 0 : i32
        %parallel_loop3A_481 = tpu.memref_slice %arg7[%rem3A_241, %parallel_loop3A_479, %parallel_loop3A_480] : memref<2x64x129xf32, #tpu.memory_space<vmem>> -> memref<1x64x129xf32, #tpu.memory_space<vmem>>
        %parallel_loop3A_482 = tpu.memref_squeeze %parallel_loop3A_481 : memref<1x64x129xf32, #tpu.memory_space<vmem>> -> memref<64x129xf32, #tpu.memory_space<vmem>>
        tpu.vector_store_idx %parallel_loop3A_482[%parallel_loop3A_478, %parallel_loop3A_471], %parallel_loop3A_475 : memref<64x129xf32, #tpu.memory_space<vmem>>[vector<16xi32>, vector<16xi32>], vector<16xf32>,
        %parallel_loop3A_483 = arith.index_cast %rem3A_241 : i32 to index
        %parallel_loop3A_484 = arith.index_cast %parallel_loop3A_467 : i32 to index
        %parallel_loop3A_485 = arith.constant 16 : index
        %parallel_loop3A_486 = tpu.vector_load %arg6[%parallel_loop3A_483, %parallel_loop3A_484, %parallel_loop3A_485] {strides = array<i32>} : memref<2x128x64xf32, #tpu.memory_space<vmem>>, vector<16xf32>,
        %parallel_loop3A_487 = arith.constant 16 : i32
        %parallel_loop3A_488 = vector.broadcast %parallel_loop3A_487 : i32 to vector<16xi32>
        %parallel_loop3A_489 = arith.addi %parallel_loop3A_488, %iota3A : vector<16xi32>
        %parallel_loop3A_490 = arith.constant 0 : i32
        %parallel_loop3A_491 = arith.constant 0 : i32
        %parallel_loop3A_492 = tpu.memref_slice %arg7[%rem3A_241, %parallel_loop3A_490, %parallel_loop3A_491] : memref<2x64x129xf32, #tpu.memory_space<vmem>> -> memref<1x64x129xf32, #tpu.memory_space<vmem>>
        %parallel_loop3A_493 = tpu.memref_squeeze %parallel_loop3A_492 : memref<1x64x129xf32, #tpu.memory_space<vmem>> -> memref<64x129xf32, #tpu.memory_space<vmem>>
        tpu.vector_store_idx %parallel_loop3A_493[%parallel_loop3A_489, %parallel_loop3A_471], %parallel_loop3A_486 : memref<64x129xf32, #tpu.memory_space<vmem>>[vector<16xi32>, vector<16xi32>], vector<16xf32>,
        %parallel_loop3A_494 = arith.index_cast %rem3A_241 : i32 to index
        %parallel_loop3A_495 = arith.index_cast %parallel_loop3A_467 : i32 to index
        %parallel_loop3A_496 = arith.constant 32 : index
        %parallel_loop3A_497 = tpu.vector_load %arg6[%parallel_loop3A_494, %parallel_loop3A_495, %parallel_loop3A_496] {strides = array<i32>} : memref<2x128x64xf32, #tpu.memory_space<vmem>>, vector<16xf32>,
        %parallel_loop3A_498 = arith.constant 32 : i32
        %parallel_loop3A_499 = vector.broadcast %parallel_loop3A_498 : i32 to vector<16xi32>
        %parallel_loop3A_500 = arith.addi %parallel_loop3A_499, %iota3A : vector<16xi32>
        %parallel_loop3A_501 = arith.constant 0 : i32
        %parallel_loop3A_502 = arith.constant 0 : i32
        %parallel_loop3A_503 = tpu.memref_slice %arg7[%rem3A_241, %parallel_loop3A_501, %parallel_loop3A_502] : memref<2x64x129xf32, #tpu.memory_space<vmem>> -> memref<1x64x129xf32, #tpu.memory_space<vmem>>
        %parallel_loop3A_504 = tpu.memref_squeeze %parallel_loop3A_503 : memref<1x64x129xf32, #tpu.memory_space<vmem>> -> memref<64x129xf32, #tpu.memory_space<vmem>>
        tpu.vector_store_idx %parallel_loop3A_504[%parallel_loop3A_500, %parallel_loop3A_471], %parallel_loop3A_497 : memref<64x129xf32, #tpu.memory_space<vmem>>[vector<16xi32>, vector<16xi32>], vector<16xf32>,
        %parallel_loop3A_505 = arith.index_cast %rem3A_241 : i32 to index
        %parallel_loop3A_506 = arith.index_cast %parallel_loop3A_467 : i32 to index
        %parallel_loop3A_507 = arith.constant 48 : index
        %parallel_loop3A_508 = tpu.vector_load %arg6[%parallel_loop3A_505, %parallel_loop3A_506, %parallel_loop3A_507] {strides = array<i32>} : memref<2x128x64xf32, #tpu.memory_space<vmem>>, vector<16xf32>,
        %parallel_loop3A_509 = arith.constant 48 : i32
        %parallel_loop3A_510 = vector.broadcast %parallel_loop3A_509 : i32 to vector<16xi32>
        %parallel_loop3A_511 = arith.addi %parallel_loop3A_510, %iota3A : vector<16xi32>
        %parallel_loop3A_512 = arith.constant 0 : i32
        %parallel_loop3A_513 = arith.constant 0 : i32
        %parallel_loop3A_514 = tpu.memref_slice %arg7[%rem3A_241, %parallel_loop3A_512, %parallel_loop3A_513] : memref<2x64x129xf32, #tpu.memory_space<vmem>> -> memref<1x64x129xf32, #tpu.memory_space<vmem>>
        %parallel_loop3A_515 = tpu.memref_squeeze %parallel_loop3A_514 : memref<1x64x129xf32, #tpu.memory_space<vmem>> -> memref<64x129xf32, #tpu.memory_space<vmem>>
        tpu.vector_store_idx %parallel_loop3A_515[%parallel_loop3A_511, %parallel_loop3A_471], %parallel_loop3A_508 : memref<64x129xf32, #tpu.memory_space<vmem>>[vector<16xi32>, vector<16xi32>], vector<16xf32>,
      } {sc.loop_unroll_factor = 4 : i64, sc.parallel_access}
      %dma_wait3A_277 = arith.constant 0 : i32
      %dma_wait3A_278 = arith.constant 0 : i32
      %dma_wait3A_279 = arith.constant 0 : i32
      %dma_wait3A_280 = tpu.memref_slice %arg7[%dma_wait3A_277, %dma_wait3A_278, %dma_wait3A_279] : memref<2x64x129xf32, #tpu.memory_space<vmem>> -> memref<1x64x128xf32, #tpu.memory_space<vmem>>
      %dma_wait3A_281 = tpu.memref_squeeze %dma_wait3A_280 : memref<1x64x128xf32, #tpu.memory_space<vmem>> -> memref<64x128xf32, #tpu.memory_space<vmem>>
      %dma_wait3A_282 = arith.constant 0 : i32
      %dma_wait3A_283 = arith.constant 0 : i32
      %dma_wait3A_284 = tpu.memref_slice %arg4[%dma_wait3A_282, %dma_wait3A_283] : memref<409600x128xf32, #tpu.memory_space<hbm>> -> memref<64x128xf32, #tpu.memory_space<hbm>>
      %dma_wait3A_285 = arith.constant 0 : i32
      %dma_wait3A_286 = arith.constant 0 : i32
      %dma_wait3A_287 = tpu.memref_slice %arg4[%dma_wait3A_285, %dma_wait3A_286] : memref<409600x128xf32, #tpu.memory_space<hbm>> -> memref<64x128xf32, #tpu.memory_space<hbm>>
      %dma_wait3A_288 = arith.constant 0 : i32
      %dma_wait3A_289 = arith.constant 0 : i32
      %dma_wait3A_290 = tpu.memref_slice %arg7[%dma_wait3A_277, %dma_wait3A_288, %dma_wait3A_289] : memref<2x64x129xf32, #tpu.memory_space<vmem>> -> memref<1x64x128xf32, #tpu.memory_space<vmem>>
      %dma_wait3A_291 = tpu.memref_squeeze %dma_wait3A_290 : memref<1x64x128xf32, #tpu.memory_space<vmem>> -> memref<64x128xf32, #tpu.memory_space<vmem>>
      tpu.wait_dma2 semaphore(%arg9 : memref<!tpu.dma_semaphore, #tpu.memory_space<semaphore_mem>>) src(%dma_wait3A_291 : memref<64x128xf32, #tpu.memory_space<vmem>>) dst(%dma_wait3A_287 : memref<64x128xf32, #tpu.memory_space<hbm>>)
      %div3A_292 = arith.constant 4 : i32
      %div3A_293 = arith.divsi %scan3A_239, %div3A_292 : i32
      %rem3A_294 = arith.constant 4 : i32
      %rem3A_295 = arith.remsi %scan3A_239, %rem3A_294 : i32
      %mul3A_296 = arith.constant 4 : i32
      %mul3A_297 = arith.muli %add3A, %mul3A_296 : i32
      %add3A_298 = arith.addi %mul3A_297, %rem3A_295 : i32
      %mul3A_299 = arith.constant 8 : i32
      %mul3A_300 = arith.muli %div3A_293, %mul3A_299 : i32
      %add3A_301 = arith.constant 0 : i32
      %add3A_302 = arith.addi %mul3A_300, %add3A_301 : i32
      %mul3A_303 = arith.constant 128 : i32
      %mul3A_304 = arith.muli %add3A_302, %mul3A_303 : i32
      %add3A_305 = arith.addi %mul3A_304, %add3A_298 : i32
      %mul3A_306 = arith.constant 8 : i32
      %mul3A_307 = arith.muli %add3A_305, %mul3A_306 : i32
      %dma_start3A_308 = arith.constant 0 : i32
      %dma_start3A_309 = arith.constant 0 : i32
      %dma_start3A_310 = tpu.memref_slice %arg7[%rem3A_241, %dma_start3A_308, %dma_start3A_309] : memref<2x64x129xf32, #tpu.memory_space<vmem>> -> memref<1x8x128xf32, #tpu.memory_space<vmem>>
      %dma_start3A_311 = tpu.memref_squeeze %dma_start3A_310 : memref<1x8x128xf32, #tpu.memory_space<vmem>> -> memref<8x128xf32, #tpu.memory_space<vmem>>
      %dma_start3A_312 = arith.constant 0 : i32
      %dma_start3A_313 = tpu.memref_slice %arg4[%mul3A_307, %dma_start3A_312] : memref<409600x128xf32, #tpu.memory_space<hbm>> -> memref<8x128xf32, #tpu.memory_space<hbm>>
      %dma_start3A_314 = arith.constant 0 : i32
      %dma_start3A_315 = tpu.memref_slice %arg4[%mul3A_307, %dma_start3A_314] : memref<409600x128xf32, #tpu.memory_space<hbm>> -> memref<8x128xf32, #tpu.memory_space<hbm>>
      %dma_start3A_316 = arith.constant 0 : i32
      %dma_start3A_317 = arith.constant 0 : i32
      %dma_start3A_318 = tpu.memref_slice %arg7[%rem3A_241, %dma_start3A_316, %dma_start3A_317] : memref<2x64x129xf32, #tpu.memory_space<vmem>> -> memref<1x8x128xf32, #tpu.memory_space<vmem>>
      %dma_start3A_319 = tpu.memref_squeeze %dma_start3A_318 : memref<1x8x128xf32, #tpu.memory_space<vmem>> -> memref<8x128xf32, #tpu.memory_space<vmem>>
      tpu.enqueue_dma source(%dma_start3A_319 : memref<8x128xf32, #tpu.memory_space<vmem>>) target(%dma_start3A_315 : memref<8x128xf32, #tpu.memory_space<hbm>>) target_semaphore(%arg9 : memref<!tpu.dma_semaphore, #tpu.memory_space<semaphore_mem>>)
      %mul3A_320 = arith.constant 8 : i32
      %mul3A_321 = arith.muli %div3A_293, %mul3A_320 : i32
      %add3A_322 = arith.constant 1 : i32
      %add3A_323 = arith.addi %mul3A_321, %add3A_322 : i32
      %mul3A_324 = arith.constant 128 : i32
      %mul3A_325 = arith.muli %add3A_323, %mul3A_324 : i32
      %add3A_326 = arith.addi %mul3A_325, %add3A_298 : i32
      %mul3A_327 = arith.constant 8 : i32
      %mul3A_328 = arith.muli %add3A_326, %mul3A_327 : i32
      %dma_start3A_329 = arith.constant 8 : i32
      %dma_start3A_330 = arith.constant 0 : i32
      %dma_start3A_331 = tpu.memref_slice %arg7[%rem3A_241, %dma_start3A_329, %dma_start3A_330] : memref<2x64x129xf32, #tpu.memory_space<vmem>> -> memref<1x8x128xf32, #tpu.memory_space<vmem>>
      %dma_start3A_332 = tpu.memref_squeeze %dma_start3A_331 : memref<1x8x128xf32, #tpu.memory_space<vmem>> -> memref<8x128xf32, #tpu.memory_space<vmem>>
      %dma_start3A_333 = arith.constant 0 : i32
      %dma_start3A_334 = tpu.memref_slice %arg4[%mul3A_328, %dma_start3A_333] : memref<409600x128xf32, #tpu.memory_space<hbm>> -> memref<8x128xf32, #tpu.memory_space<hbm>>
      %dma_start3A_335 = arith.constant 0 : i32
      %dma_start3A_336 = tpu.memref_slice %arg4[%mul3A_328, %dma_start3A_335] : memref<409600x128xf32, #tpu.memory_space<hbm>> -> memref<8x128xf32, #tpu.memory_space<hbm>>
      %dma_start3A_337 = arith.constant 8 : i32
      %dma_start3A_338 = arith.constant 0 : i32
      %dma_start3A_339 = tpu.memref_slice %arg7[%rem3A_241, %dma_start3A_337, %dma_start3A_338] : memref<2x64x129xf32, #tpu.memory_space<vmem>> -> memref<1x8x128xf32, #tpu.memory_space<vmem>>
      %dma_start3A_340 = tpu.memref_squeeze %dma_start3A_339 : memref<1x8x128xf32, #tpu.memory_space<vmem>> -> memref<8x128xf32, #tpu.memory_space<vmem>>
      tpu.enqueue_dma source(%dma_start3A_340 : memref<8x128xf32, #tpu.memory_space<vmem>>) target(%dma_start3A_336 : memref<8x128xf32, #tpu.memory_space<hbm>>) target_semaphore(%arg9 : memref<!tpu.dma_semaphore, #tpu.memory_space<semaphore_mem>>)
      %mul3A_341 = arith.constant 8 : i32
      %mul3A_342 = arith.muli %div3A_293, %mul3A_341 : i32
      %add3A_343 = arith.constant 2 : i32
      %add3A_344 = arith.addi %mul3A_342, %add3A_343 : i32
      %mul3A_345 = arith.constant 128 : i32
      %mul3A_346 = arith.muli %add3A_344, %mul3A_345 : i32
      %add3A_347 = arith.addi %mul3A_346, %add3A_298 : i32
      %mul3A_348 = arith.constant 8 : i32
      %mul3A_349 = arith.muli %add3A_347, %mul3A_348 : i32
      %dma_start3A_350 = arith.constant 16 : i32
      %dma_start3A_351 = arith.constant 0 : i32
      %dma_start3A_352 = tpu.memref_slice %arg7[%rem3A_241, %dma_start3A_350, %dma_start3A_351] : memref<2x64x129xf32, #tpu.memory_space<vmem>> -> memref<1x8x128xf32, #tpu.memory_space<vmem>>
      %dma_start3A_353 = tpu.memref_squeeze %dma_start3A_352 : memref<1x8x128xf32, #tpu.memory_space<vmem>> -> memref<8x128xf32, #tpu.memory_space<vmem>>
      %dma_start3A_354 = arith.constant 0 : i32
      %dma_start3A_355 = tpu.memref_slice %arg4[%mul3A_349, %dma_start3A_354] : memref<409600x128xf32, #tpu.memory_space<hbm>> -> memref<8x128xf32, #tpu.memory_space<hbm>>
      %dma_start3A_356 = arith.constant 0 : i32
      %dma_start3A_357 = tpu.memref_slice %arg4[%mul3A_349, %dma_start3A_356] : memref<409600x128xf32, #tpu.memory_space<hbm>> -> memref<8x128xf32, #tpu.memory_space<hbm>>
      %dma_start3A_358 = arith.constant 16 : i32
      %dma_start3A_359 = arith.constant 0 : i32
      %dma_start3A_360 = tpu.memref_slice %arg7[%rem3A_241, %dma_start3A_358, %dma_start3A_359] : memref<2x64x129xf32, #tpu.memory_space<vmem>> -> memref<1x8x128xf32, #tpu.memory_space<vmem>>
      %dma_start3A_361 = tpu.memref_squeeze %dma_start3A_360 : memref<1x8x128xf32, #tpu.memory_space<vmem>> -> memref<8x128xf32, #tpu.memory_space<vmem>>
      tpu.enqueue_dma source(%dma_start3A_361 : memref<8x128xf32, #tpu.memory_space<vmem>>) target(%dma_start3A_357 : memref<8x128xf32, #tpu.memory_space<hbm>>) target_semaphore(%arg9 : memref<!tpu.dma_semaphore, #tpu.memory_space<semaphore_mem>>)
      %mul3A_362 = arith.constant 8 : i32
      %mul3A_363 = arith.muli %div3A_293, %mul3A_362 : i32
      %add3A_364 = arith.constant 3 : i32
      %add3A_365 = arith.addi %mul3A_363, %add3A_364 : i32
      %mul3A_366 = arith.constant 128 : i32
      %mul3A_367 = arith.muli %add3A_365, %mul3A_366 : i32
      %add3A_368 = arith.addi %mul3A_367, %add3A_298 : i32
      %mul3A_369 = arith.constant 8 : i32
      %mul3A_370 = arith.muli %add3A_368, %mul3A_369 : i32
      %dma_start3A_371 = arith.constant 24 : i32
      %dma_start3A_372 = arith.constant 0 : i32
      %dma_start3A_373 = tpu.memref_slice %arg7[%rem3A_241, %dma_start3A_371, %dma_start3A_372] : memref<2x64x129xf32, #tpu.memory_space<vmem>> -> memref<1x8x128xf32, #tpu.memory_space<vmem>>
      %dma_start3A_374 = tpu.memref_squeeze %dma_start3A_373 : memref<1x8x128xf32, #tpu.memory_space<vmem>> -> memref<8x128xf32, #tpu.memory_space<vmem>>
      %dma_start3A_375 = arith.constant 0 : i32
      %dma_start3A_376 = tpu.memref_slice %arg4[%mul3A_370, %dma_start3A_375] : memref<409600x128xf32, #tpu.memory_space<hbm>> -> memref<8x128xf32, #tpu.memory_space<hbm>>
      %dma_start3A_377 = arith.constant 0 : i32
      %dma_start3A_378 = tpu.memref_slice %arg4[%mul3A_370, %dma_start3A_377] : memref<409600x128xf32, #tpu.memory_space<hbm>> -> memref<8x128xf32, #tpu.memory_space<hbm>>
      %dma_start3A_379 = arith.constant 24 : i32
      %dma_start3A_380 = arith.constant 0 : i32
      %dma_start3A_381 = tpu.memref_slice %arg7[%rem3A_241, %dma_start3A_379, %dma_start3A_380] : memref<2x64x129xf32, #tpu.memory_space<vmem>> -> memref<1x8x128xf32, #tpu.memory_space<vmem>>
      %dma_start3A_382 = tpu.memref_squeeze %dma_start3A_381 : memref<1x8x128xf32, #tpu.memory_space<vmem>> -> memref<8x128xf32, #tpu.memory_space<vmem>>
      tpu.enqueue_dma source(%dma_start3A_382 : memref<8x128xf32, #tpu.memory_space<vmem>>) target(%dma_start3A_378 : memref<8x128xf32, #tpu.memory_space<hbm>>) target_semaphore(%arg9 : memref<!tpu.dma_semaphore, #tpu.memory_space<semaphore_mem>>)
      %mul3A_383 = arith.constant 8 : i32
      %mul3A_384 = arith.muli %div3A_293, %mul3A_383 : i32
      %add3A_385 = arith.constant 4 : i32
      %add3A_386 = arith.addi %mul3A_384, %add3A_385 : i32
      %mul3A_387 = arith.constant 128 : i32
      %mul3A_388 = arith.muli %add3A_386, %mul3A_387 : i32
      %add3A_389 = arith.addi %mul3A_388, %add3A_298 : i32
      %mul3A_390 = arith.constant 8 : i32
      %mul3A_391 = arith.muli %add3A_389, %mul3A_390 : i32
      %dma_start3A_392 = arith.constant 32 : i32
      %dma_start3A_393 = arith.constant 0 : i32
      %dma_start3A_394 = tpu.memref_slice %arg7[%rem3A_241, %dma_start3A_392, %dma_start3A_393] : memref<2x64x129xf32, #tpu.memory_space<vmem>> -> memref<1x8x128xf32, #tpu.memory_space<vmem>>
      %dma_start3A_395 = tpu.memref_squeeze %dma_start3A_394 : memref<1x8x128xf32, #tpu.memory_space<vmem>> -> memref<8x128xf32, #tpu.memory_space<vmem>>
      %dma_start3A_396 = arith.constant 0 : i32
      %dma_start3A_397 = tpu.memref_slice %arg4[%mul3A_391, %dma_start3A_396] : memref<409600x128xf32, #tpu.memory_space<hbm>> -> memref<8x128xf32, #tpu.memory_space<hbm>>
      %dma_start3A_398 = arith.constant 0 : i32
      %dma_start3A_399 = tpu.memref_slice %arg4[%mul3A_391, %dma_start3A_398] : memref<409600x128xf32, #tpu.memory_space<hbm>> -> memref<8x128xf32, #tpu.memory_space<hbm>>
      %dma_start3A_400 = arith.constant 32 : i32
      %dma_start3A_401 = arith.constant 0 : i32
      %dma_start3A_402 = tpu.memref_slice %arg7[%rem3A_241, %dma_start3A_400, %dma_start3A_401] : memref<2x64x129xf32, #tpu.memory_space<vmem>> -> memref<1x8x128xf32, #tpu.memory_space<vmem>>
      %dma_start3A_403 = tpu.memref_squeeze %dma_start3A_402 : memref<1x8x128xf32, #tpu.memory_space<vmem>> -> memref<8x128xf32, #tpu.memory_space<vmem>>
      tpu.enqueue_dma source(%dma_start3A_403 : memref<8x128xf32, #tpu.memory_space<vmem>>) target(%dma_start3A_399 : memref<8x128xf32, #tpu.memory_space<hbm>>) target_semaphore(%arg9 : memref<!tpu.dma_semaphore, #tpu.memory_space<semaphore_mem>>)
      %mul3A_404 = arith.constant 8 : i32
      %mul3A_405 = arith.muli %div3A_293, %mul3A_404 : i32
      %add3A_406 = arith.constant 5 : i32
      %add3A_407 = arith.addi %mul3A_405, %add3A_406 : i32
      %mul3A_408 = arith.constant 128 : i32
      %mul3A_409 = arith.muli %add3A_407, %mul3A_408 : i32
      %add3A_410 = arith.addi %mul3A_409, %add3A_298 : i32
      %mul3A_411 = arith.constant 8 : i32
      %mul3A_412 = arith.muli %add3A_410, %mul3A_411 : i32
      %dma_start3A_413 = arith.constant 40 : i32
      %dma_start3A_414 = arith.constant 0 : i32
      %dma_start3A_415 = tpu.memref_slice %arg7[%rem3A_241, %dma_start3A_413, %dma_start3A_414] : memref<2x64x129xf32, #tpu.memory_space<vmem>> -> memref<1x8x128xf32, #tpu.memory_space<vmem>>
      %dma_start3A_416 = tpu.memref_squeeze %dma_start3A_415 : memref<1x8x128xf32, #tpu.memory_space<vmem>> -> memref<8x128xf32, #tpu.memory_space<vmem>>
      %dma_start3A_417 = arith.constant 0 : i32
      %dma_start3A_418 = tpu.memref_slice %arg4[%mul3A_412, %dma_start3A_417] : memref<409600x128xf32, #tpu.memory_space<hbm>> -> memref<8x128xf32, #tpu.memory_space<hbm>>
      %dma_start3A_419 = arith.constant 0 : i32
      %dma_start3A_420 = tpu.memref_slice %arg4[%mul3A_412, %dma_start3A_419] : memref<409600x128xf32, #tpu.memory_space<hbm>> -> memref<8x128xf32, #tpu.memory_space<hbm>>
      %dma_start3A_421 = arith.constant 40 : i32
      %dma_start3A_422 = arith.constant 0 : i32
      %dma_start3A_423 = tpu.memref_slice %arg7[%rem3A_241, %dma_start3A_421, %dma_start3A_422] : memref<2x64x129xf32, #tpu.memory_space<vmem>> -> memref<1x8x128xf32, #tpu.memory_space<vmem>>
      %dma_start3A_424 = tpu.memref_squeeze %dma_start3A_423 : memref<1x8x128xf32, #tpu.memory_space<vmem>> -> memref<8x128xf32, #tpu.memory_space<vmem>>
      tpu.enqueue_dma source(%dma_start3A_424 : memref<8x128xf32, #tpu.memory_space<vmem>>) target(%dma_start3A_420 : memref<8x128xf32, #tpu.memory_space<hbm>>) target_semaphore(%arg9 : memref<!tpu.dma_semaphore, #tpu.memory_space<semaphore_mem>>)
      %mul3A_425 = arith.constant 8 : i32
      %mul3A_426 = arith.muli %div3A_293, %mul3A_425 : i32
      %add3A_427 = arith.constant 6 : i32
      %add3A_428 = arith.addi %mul3A_426, %add3A_427 : i32
      %mul3A_429 = arith.constant 128 : i32
      %mul3A_430 = arith.muli %add3A_428, %mul3A_429 : i32
      %add3A_431 = arith.addi %mul3A_430, %add3A_298 : i32
      %mul3A_432 = arith.constant 8 : i32
      %mul3A_433 = arith.muli %add3A_431, %mul3A_432 : i32
      %dma_start3A_434 = arith.constant 48 : i32
      %dma_start3A_435 = arith.constant 0 : i32
      %dma_start3A_436 = tpu.memref_slice %arg7[%rem3A_241, %dma_start3A_434, %dma_start3A_435] : memref<2x64x129xf32, #tpu.memory_space<vmem>> -> memref<1x8x128xf32, #tpu.memory_space<vmem>>
      %dma_start3A_437 = tpu.memref_squeeze %dma_start3A_436 : memref<1x8x128xf32, #tpu.memory_space<vmem>> -> memref<8x128xf32, #tpu.memory_space<vmem>>
      %dma_start3A_438 = arith.constant 0 : i32
      %dma_start3A_439 = tpu.memref_slice %arg4[%mul3A_433, %dma_start3A_438] : memref<409600x128xf32, #tpu.memory_space<hbm>> -> memref<8x128xf32, #tpu.memory_space<hbm>>
      %dma_start3A_440 = arith.constant 0 : i32
      %dma_start3A_441 = tpu.memref_slice %arg4[%mul3A_433, %dma_start3A_440] : memref<409600x128xf32, #tpu.memory_space<hbm>> -> memref<8x128xf32, #tpu.memory_space<hbm>>
      %dma_start3A_442 = arith.constant 48 : i32
      %dma_start3A_443 = arith.constant 0 : i32
      %dma_start3A_444 = tpu.memref_slice %arg7[%rem3A_241, %dma_start3A_442, %dma_start3A_443] : memref<2x64x129xf32, #tpu.memory_space<vmem>> -> memref<1x8x128xf32, #tpu.memory_space<vmem>>
      %dma_start3A_445 = tpu.memref_squeeze %dma_start3A_444 : memref<1x8x128xf32, #tpu.memory_space<vmem>> -> memref<8x128xf32, #tpu.memory_space<vmem>>
      tpu.enqueue_dma source(%dma_start3A_445 : memref<8x128xf32, #tpu.memory_space<vmem>>) target(%dma_start3A_441 : memref<8x128xf32, #tpu.memory_space<hbm>>) target_semaphore(%arg9 : memref<!tpu.dma_semaphore, #tpu.memory_space<semaphore_mem>>)
      %mul3A_446 = arith.constant 8 : i32
      %mul3A_447 = arith.muli %div3A_293, %mul3A_446 : i32
      %add3A_448 = arith.constant 7 : i32
      %add3A_449 = arith.addi %mul3A_447, %add3A_448 : i32
      %mul3A_450 = arith.constant 128 : i32
      %mul3A_451 = arith.muli %add3A_449, %mul3A_450 : i32
      %add3A_452 = arith.addi %mul3A_451, %add3A_298 : i32
      %mul3A_453 = arith.constant 8 : i32
      %mul3A_454 = arith.muli %add3A_452, %mul3A_453 : i32
      %dma_start3A_455 = arith.constant 56 : i32
      %dma_start3A_456 = arith.constant 0 : i32
      %dma_start3A_457 = tpu.memref_slice %arg7[%rem3A_241, %dma_start3A_455, %dma_start3A_456] : memref<2x64x129xf32, #tpu.memory_space<vmem>> -> memref<1x8x128xf32, #tpu.memory_space<vmem>>
      %dma_start3A_458 = tpu.memref_squeeze %dma_start3A_457 : memref<1x8x128xf32, #tpu.memory_space<vmem>> -> memref<8x128xf32, #tpu.memory_space<vmem>>
      %dma_start3A_459 = arith.constant 0 : i32
      %dma_start3A_460 = tpu.memref_slice %arg4[%mul3A_454, %dma_start3A_459] : memref<409600x128xf32, #tpu.memory_space<hbm>> -> memref<8x128xf32, #tpu.memory_space<hbm>>
      %dma_start3A_461 = arith.constant 0 : i32
      %dma_start3A_462 = tpu.memref_slice %arg4[%mul3A_454, %dma_start3A_461] : memref<409600x128xf32, #tpu.memory_space<hbm>> -> memref<8x128xf32, #tpu.memory_space<hbm>>
      %dma_start3A_463 = arith.constant 56 : i32
      %dma_start3A_464 = arith.constant 0 : i32
      %dma_start3A_465 = tpu.memref_slice %arg7[%rem3A_241, %dma_start3A_463, %dma_start3A_464] : memref<2x64x129xf32, #tpu.memory_space<vmem>> -> memref<1x8x128xf32, #tpu.memory_space<vmem>>
      %dma_start3A_466 = tpu.memref_squeeze %dma_start3A_465 : memref<1x8x128xf32, #tpu.memory_space<vmem>> -> memref<8x128xf32, #tpu.memory_space<vmem>>
      tpu.enqueue_dma source(%dma_start3A_466 : memref<8x128xf32, #tpu.memory_space<vmem>>) target(%dma_start3A_462 : memref<8x128xf32, #tpu.memory_space<hbm>>) target_semaphore(%arg9 : memref<!tpu.dma_semaphore, #tpu.memory_space<semaphore_mem>>)
    }
    %scan3A_207 = arith.constant 200 : i32
    %rem3A_208 = arith.constant 200 : i32
    %rem3A_209 = arith.constant 2 : i32
    %rem3A_210 = arith.remsi %rem3A_208, %rem3A_209 : i32
    %dma_wait3A = arith.constant 0 : i32
    %dma_wait3A_211 = arith.constant 0 : i32
    %dma_wait3A_212 = tpu.memref_slice %arg6[%rem3A_210, %dma_wait3A, %dma_wait3A_211] : memref<2x128x64xf32, #tpu.memory_space<vmem>> -> memref<1x128x64xf32, #tpu.memory_space<vmem>>
    %dma_wait3A_213 = tpu.memref_squeeze %dma_wait3A_212 : memref<1x128x64xf32, #tpu.memory_space<vmem>> -> memref<128x64xf32, #tpu.memory_space<vmem>>
    %dma_wait3A_214 = arith.constant 0 : i32
    %dma_wait3A_215 = arith.constant 0 : i32
    %dma_wait3A_216 = tpu.memref_slice %arg3[%dma_wait3A_214, %dma_wait3A_215] : memref<1000000x64xf32, #tpu.memory_space<hbm>> -> memref<128x64xf32, #tpu.memory_space<hbm>>
    %dma_wait3A_217 = arith.constant 0 : i32
    %dma_wait3A_218 = arith.constant 0 : i32
    %dma_wait3A_219 = tpu.memref_slice %arg6[%rem3A_210, %dma_wait3A_217, %dma_wait3A_218] : memref<2x128x64xf32, #tpu.memory_space<vmem>> -> memref<1x128x64xf32, #tpu.memory_space<vmem>>
    %dma_wait3A_220 = tpu.memref_squeeze %dma_wait3A_219 : memref<1x128x64xf32, #tpu.memory_space<vmem>> -> memref<128x64xf32, #tpu.memory_space<vmem>>
    %dma_wait3A_221 = arith.constant 0 : i32
    %dma_wait3A_222 = arith.constant 0 : i32
    %dma_wait3A_223 = tpu.memref_slice %arg3[%dma_wait3A_221, %dma_wait3A_222] : memref<1000000x64xf32, #tpu.memory_space<hbm>> -> memref<128x64xf32, #tpu.memory_space<hbm>>
    tpu.wait_dma2 semaphore(%arg8 : memref<!tpu.dma_semaphore, #tpu.memory_space<semaphore_mem>>) src(%dma_wait3A_223 : memref<128x64xf32, #tpu.memory_space<hbm>>) dst(%dma_wait3A_220 : memref<128x64xf32, #tpu.memory_space<vmem>>)
    %dma_wait3A_224 = arith.constant 0 : i32
    %dma_wait3A_225 = arith.constant 0 : i32
    %dma_wait3A_226 = arith.constant 0 : i32
    %dma_wait3A_227 = tpu.memref_slice %arg7[%dma_wait3A_224, %dma_wait3A_225, %dma_wait3A_226] : memref<2x64x129xf32, #tpu.memory_space<vmem>> -> memref<1x64x128xf32, #tpu.memory_space<vmem>>
    %dma_wait3A_228 = tpu.memref_squeeze %dma_wait3A_227 : memref<1x64x128xf32, #tpu.memory_space<vmem>> -> memref<64x128xf32, #tpu.memory_space<vmem>>
    %dma_wait3A_229 = arith.constant 0 : i32
    %dma_wait3A_230 = arith.constant 0 : i32
    %dma_wait3A_231 = tpu.memref_slice %arg4[%dma_wait3A_229, %dma_wait3A_230] : memref<409600x128xf32, #tpu.memory_space<hbm>> -> memref<64x128xf32, #tpu.memory_space<hbm>>
    %dma_wait3A_232 = arith.constant 0 : i32
    %dma_wait3A_233 = arith.constant 0 : i32
    %dma_wait3A_234 = tpu.memref_slice %arg4[%dma_wait3A_232, %dma_wait3A_233] : memref<409600x128xf32, #tpu.memory_space<hbm>> -> memref<64x128xf32, #tpu.memory_space<hbm>>
    %dma_wait3A_235 = arith.constant 0 : i32
    %dma_wait3A_236 = arith.constant 0 : i32
    %dma_wait3A_237 = tpu.memref_slice %arg7[%dma_wait3A_224, %dma_wait3A_235, %dma_wait3A_236] : memref<2x64x129xf32, #tpu.memory_space<vmem>> -> memref<1x64x128xf32, #tpu.memory_space<vmem>>
    %dma_wait3A_238 = tpu.memref_squeeze %dma_wait3A_237 : memref<1x64x128xf32, #tpu.memory_space<vmem>> -> memref<64x128xf32, #tpu.memory_space<vmem>>
    tpu.wait_dma2 semaphore(%arg9 : memref<!tpu.dma_semaphore, #tpu.memory_space<semaphore_mem>>) src(%dma_wait3A_238 : memref<64x128xf32, #tpu.memory_space<vmem>>) dst(%dma_wait3A_234 : memref<64x128xf32, #tpu.memory_space<hbm>>)
    return
  }
}

</mosaic_0001>

<sc_bundles>
// kernel: kernel.4.cloned.1.call-start
scs
__scs_entry_jumppad:
0x0: {  	(pc) =	sbr.rel $0x88, $3  }
0x1: {  	(tag) =	ssettag $0x0;
	lr =	simm.s32 $0x1  }
0x2: {  	[smem:$0x3F9F] =	sst lr;
	_ =	strace $0xD0000000  }
0x3: {  	_ = 	snop  }
0x4: {  	_ = 	snop  }
0x5: {  	_ = 	snop  }
0x6: {  	_ = 	snop  }
0x7: {  	_ = 	snop  }
__scs_overlays_trampoline_lowered:
0x8: {  	[smem:$0x3FAE] =	sst s0  }
0x9: {  	[smem:$0x3FAF] =	sst s1  }
0xa: {  	[smem:$0x3FB0] =	sst s2  }
0xb: {  	[smem:$0x3FB1] =	sst s3  }
0xc: {  	[smem:$0x3FB2] =	sst s4  }
0xd: {  	[smem:$0x3FB3] =	sst s5  }
0xe: {  	[smem:$0x3FB4] =	sst s6  }
0xf: {  	[smem:$0x3FB5] =	sst s7  }
0x10: {  	[smem:$0x3FB6] =	sst s8  }
0x11: {  	[smem:$0x3FB7] =	sst s9;
	s0 =	simm.s32 @!p0 $0x0  }
0x12: {  	s1 =	sld [smem:$0x3F9D];
	s0 =	simm.s32 @p0 $0x1  }
0x13: {  	[smem:$0x3FB8] =	sst s0;
	s0 =	simm.s32 @!p1 $0x0  }
0x14: {  	s2 =	sld [smem:$0x3F9C];
	s0 =	simm.s32 @p1 $0x1  }
0x15: {  	[smem:$0x3FB9] =	sst s0;
	s0 =	simm.s32 @!p2 $0x0  }
0x16: {  	s3 =	sld [smem:$0x3FDB];
	s0 =	simm.s32 @p2 $0x1  }
0x17: {  	s4 =	simm.s32 $0x1BF5;
	[smem:$0x3FBB] =	sst s0  }
0x18: {  	s0 =	sld [smem:$0x3F9E];
	_ =	swait.ge [sflag:s4], $0x0  }
0x19: {  	s7 =	sld [smem:$0x3F9F]  }
0x1a: {  	s8 =	sadd.s32 $0xFFFFE003, lr  }
0x1b: {  	s9 =	sadd.s32 $0xFFFFFEF7, lr;
	s5 =	simm.s32 $0xFFFFFFFF;
	p2 =	slt.u32 s8, $0xFFFFF086  }
0x1c: {  	p1 =	slt.u32 s9, $0xF7A;
	s5 =	simm.s32 @!p2 $0x0  }
0x1d: {  	s5 =	simm.s32 @p1 $0x1;
	p0 =	seq.s32 s7, s2  }
0x1e: {  	s7 =	smul.u32 @!p0 $0xF7A, s2;
	p2 =	seq.s32 @!p0 s5, $0x0  }
0x1f: {  	s9 =	smul.u32 $0xF7A, s1;
	s8 =	simm.s32 @!p0 $0x1BF5;
	p2 =	por !p2, p0  }
0x20: {  	[sflag:s8] =	ssyncset.s32 @!p0 $0xFFFFF086;
	s6 =	sadd.s32 @!p0 s3, s7;
	s7 =	simm.s32 @!p0 $0x108  }
0x21: {  	s3 =	sadd.s32 s3, s9;
	s6 =	sadd.s32 @!p0 $0x88, s6;
	s7 =	simm.s32 @p2 $0x1082  }
0x22: {  	[simem:s7], [sflag:s8] =	dma.local @!p0 [hbm:s6], $0xF7A  }
0x23: {  	s9 =	sor.u32 $0xD0000000, s2;
	s6 =	simm.s32 $0x108;
	_ =	swait.ge @!p0 [sflag:s8], $0x0  }
0x24: {  	s3 =	sadd.s32 $0x88, s3;
	s6 =	simm.s32 @!p1 $0x1082;
	[sflag:s4] =	ssyncset.s32 $0xFFFFF086  }
0x25: {  	[simem:s6], [sflag:s4] =	dma.local [hbm:s3], $0xF7A  }
0x26: {  	[smem:$0x3F9F] =	sst s1;
	(tag) =	ssettag s2;
	_ =	strace s9  }
0x27: {  	s1 =	sld [smem:$0x3FAF]  }
0x28: {  	s2 =	sld [smem:$0x3FB0]  }
0x29: {  	s4 =	sld [smem:$0x3FB2]  }
0x2a: {  	p0 =	seq.s32 s5, $0x0;
	s5 =	sld [smem:$0x3FB3]  }
0x2b: {  	s6 =	sld [smem:$0x3FB4]  }
0x2c: {  	s7 =	sld [smem:$0x3FB5]  }
0x2d: {  	s3 =	simm.s32 $0x108;
	s8 =	sld [smem:$0x3FB6]  }
0x2e: {  	s3 =	simm.s32 @!p0 $0x1082;
	s9 =	sld [smem:$0x3FB7]  }
0x2f: {  	lr =	sadd.s32 s0, s3;
	s0 =	sld [smem:$0x3FAE]  }
0x30: {  	s3 =	sld [smem:$0x3FB1]  }
0x31: {  	[smem:$0x3FBA] =	sst s10  }
0x32: {  	s10 =	sld [smem:$0x3FB8];
	_ =	sdelay $0x3  }
0x33: {  	p0 =	seq.s32 s10, $0x1;
	s10 =	sld [smem:$0x3FBA];
	_ =	sdelay $0x3  }
0x34: {  	[smem:$0x3FBA] =	sst s10  }
0x35: {  	s10 =	sld [smem:$0x3FB9];
	_ =	sdelay $0x3  }
0x36: {  	p1 =	seq.s32 s10, $0x1;
	s10 =	sld [smem:$0x3FBA];
	_ =	sdelay $0x3  }
0x37: {  	[smem:$0x3FBA] =	sst s10  }
0x38: {  	s10 =	sld [smem:$0x3FBB]  }
0x39: {  	_ = 	snop;
	(pc) =	sbr.ind lr, $3  }
0x3a: {  	_ = 	snop  }
0x3b: {  	_ = 	snop  }
0x3c: {  	p2 =	seq.s32 s10, $0x1;
	s10 =	sld [smem:$0x3FBA]  }
0x3d: {  	_ =	shalt  }
0x3e: {  	_ =	shalt  }
0x3f: {  	_ =	shalt  }
0x40: {  	_ =	shalt  }
0x41: {  	_ =	shalt  }
0x42: {  	_ =	shalt  }
0x43: {  	_ =	shalt  }
0x44: {  	_ =	shalt  }
0x45: {  	_ =	shalt  }
0x46: {  	_ =	shalt  }
0x47: {  	_ =	shalt  }
0x48: {  	_ =	shalt  }
0x49: {  	_ =	shalt  }
0x4a: {  	_ =	shalt  }
0x4b: {  	_ =	shalt  }
0x4c: {  	_ =	shalt  }
0x4d: {  	_ =	shalt  }
0x4e: {  	_ =	shalt  }
0x4f: {  	_ =	shalt  }
0x50: {  	_ =	shalt  }
0x51: {  	_ =	shalt  }
0x52: {  	_ =	shalt  }
0x53: {  	_ =	shalt  }
0x54: {  	_ =	shalt  }
0x55: {  	_ =	shalt  }
0x56: {  	_ =	shalt  }
0x57: {  	_ =	shalt  }
0x58: {  	_ =	shalt  }
0x59: {  	_ =	shalt  }
0x5a: {  	_ =	shalt  }
0x5b: {  	_ =	shalt  }
0x5c: {  	_ =	shalt  }
0x5d: {  	_ =	shalt  }
0x5e: {  	_ =	shalt  }
0x5f: {  	_ =	shalt  }
0x60: {  	_ =	shalt  }
0x61: {  	_ =	shalt  }
0x62: {  	_ =	shalt  }
0x63: {  	_ =	shalt  }
0x64: {  	_ =	shalt  }
0x65: {  	_ =	shalt  }
0x66: {  	_ =	shalt  }
0x67: {  	_ =	shalt  }
0x68: {  	_ =	shalt  }
0x69: {  	_ =	shalt  }
0x6a: {  	_ =	shalt  }
0x6b: {  	_ =	shalt  }
0x6c: {  	_ =	shalt  }
0x6d: {  	_ =	shalt  }
0x6e: {  	_ =	shalt  }
0x6f: {  	_ =	shalt  }
0x70: {  	_ =	shalt  }
0x71: {  	_ =	shalt  }
0x72: {  	_ =	shalt  }
0x73: {  	_ =	shalt  }
0x74: {  	_ =	shalt  }
0x75: {  	_ =	shalt  }
0x76: {  	_ =	shalt  }
0x77: {  	_ =	shalt  }
0x78: {  	_ =	shalt  }
0x79: {  	_ =	shalt  }
0x7a: {  	_ =	shalt  }
0x7b: {  	_ =	shalt  }
0x7c: {  	_ =	shalt  }
0x7d: {  	_ =	shalt  }
0x7e: {  	_ =	shalt  }
0x7f: {  	_ =	shalt  }
0x80: {  	_ =	shalt  }
0x81: {  	_ =	shalt  }
0x82: {  	_ =	shalt  }
0x83: {  	_ =	shalt  }
0x84: {  	_ =	shalt  }
0x85: {  	_ =	shalt  }
0x86: {  	_ =	shalt  }
0x87: {  	_ =	shalt  }
.Lfunc_end0:
.L_simem_size_0:
called_computation_lowered:
.L_overlay_start_0:
0x88: {  	s2 =	sld [smem:$0x3FD9]  }
0x89: {  	s3 =	sld [smem:$0x3FFE];
	_ =	sdelay $0x1  }
0x8a: {  	s1 =	srdreg.scid  }
0x8b: {  	s0 =	sand.u32 $0x1, s1  }
0x8c: {  	s17 =	sshll.u32 s0, $0xA;
	s2 =	sadd.s32 s3, s2  }
0x8d: {  	s2 =	sadd.s32 s2, s17  }
0x8e: {  	[smem:$0x3FC6] =	sst s2  }
0x8f: {  	_ = 	snop  }
0x90: {  	s2 =	sld [smem:$0x3FC8];
	(tm) =	ssettm $0x1  }
0x91: {  	s18 =	sld [smem:$0x3FFB];
	_ =	sdelay $0x3  }
0x92: {  	_ =	strace s18  }
0x93: {  	s3 =	sld [smem:$0x3FFC];
	_ =	sdelay $0x3  }
0x94: {  	_ =	strace s3  }
0x95: {  	s3 =	sld [smem:$0x3FFD];
	_ =	sdelay $0x3  }
0x96: {  	_ =	strace s3  }
0x97: {  	_ =	strace $0x8FFFFFFF  }
0x98: {  	s19 =	sld [smem:$0x3FDB];
	_ =	sdelay $0x1  }
0x99: {  	s4 =	simm.s32 $_scs_section_size  }
0x9a: {  	s5 =	simm.s32 $_size__tile_overlayer_lowered;
	s6 =	simm.s32 $_tile_overlayer_lowered  }
0x9b: {  	s22 =	simm.s32 $0x1BFF;
	s21 =	sshll.u32 s6, $0x1;
	s3 =	sadd.s32 s4, s19  }
0x9c: {  	s7 =	simm.s32 $0x0;
	s20 =	sshll.u32 s5, $0x1;
	s5 =	sadd.s32 s21, s3  }
0x9d: {  	[timem:s7], [sflag:s22] =	dma.local [hbm:s5], s20  }
0x9e: {  	_ =	swait.ge [sflag:s22], s20  }
0x9f: {  	s4 =	ssub.s32 $0x0, s20;
	[sflag:s22] =	ssyncset.done $0x0  }
0xa0: {  	[sflag:s22] =	ssyncadd.s32 s4;
	_ =	sdelay $0x1  }
0xa1: {  	s23 =	simm.s32 $0x1B8B  }
0xa2: {  	_ =	swait.ge [sflag:s23], $0x1  }
0xa3: {  	[sflag:s23] =	ssyncset.done $0x0  }
0xa4: {  	s25 =	simm.s32 $0x1B8E;
	s24 =	sld [smem:$0x3FFE];
	[sflag:s23] =	ssyncadd.s32 $0xFFFFFFFF  }
0xa5: {  	s26 =	simm.s32 $execute0_lowered;
	[smem:$0x3FD2] =	sst s25  }
0xa6: {  	s5 =	sshll.u32 s26, $0x1;
	_ =	strace $0x80000046;
	[dreg:$0x1] =	wrdreg $0xFFFFFFFF  }
0xa7: {  	s28 =	simm.s32 $_size_execute0_lowered;
	s3 =	sadd.s32 s3, s5;
	[dreg:$0x0] =	wrdreg $0x0  }
0xa8: {  	s5 =	sshll.u32 s28, $0x1;
	[dreg:$0x2] =	wrdreg s3  }
0xa9: {  	[dreg:$0x3] =	wrdreg s5  }
0xaa: {  	[dreg:$0x4] =	wrdreg $0xC0  }
0xab: {  	_ =	task [dreg:s7], $0x5FFFF  }
0xac: {  	[dreg:$0x1] =	wrdreg $0xFFFFFFFF  }
0xad: {  	[dreg:$0x0] =	wrdreg $0x60  }
0xae: {  	[dreg:$0x2] =	wrdreg s2  }
0xaf: {  	[dreg:$0x3] =	wrdreg s24  }
0xb0: {  	[dreg:$0x4] =	wrdreg $0x9  }
0xb1: {  	_ =	task.clear_ibuf [dreg:s7], $0x5FFFF;
	_ =	strace $0x90000046  }
0xb2: {  	s29 =	simm.s32 $0x9;
	_ =	strace $0x80000048  }
0xb3: {  	_ =	swait.ge [sflag:s29], $0x1  }
0xb4: {  	[sflag:s29] =	ssyncadd.s32 $0xFFFFFFFF  }
0xb5: {  	_ =	strace $0x90000048  }
0xb6: {  	_ =	sfence  }
0xb7: {  	s30 =	sld [smem:$0x0];
	_ =	sdelay $0x2  }
0xb8: {  	s31 =	sshll.u32 s1, $0xD;
	s1 =	sshrl.u32 s1, $0x2  }
0xb9: {  	s3 =	sand.u32 $0x4000, s31;
	s1 =	sadd.s32 s1, s30  }
0xba: {  	s0 =	sor.u32 s3, s0;
	s1 =	sshll.u32 s1, $0x11  }
0xbb: {  	s0 =	sor.u32 s1, s0  }
0xbc: {  	s0 =	sadd.s32 $0x8F2B, s0  }
0xbd: {  	[sflag:s0] =	ssyncadd.remote.s32 $0x1  }
0xbe: {  	_ =	sfence.sel $0xFFFF  }
0xbf: {  	[dreg:$0x0] =	wrdreg $0xFFFFFFFF;
	(pc) =	sbr.abs _section_cstart, $3  }
0xc0: {  	[dreg:$0x1] =	wrdreg $0xFFFFFFFF  }
0xc1: {  	_ =	task.clear_ibuf [dreg:s7], $0x2FFFF;
	_ =	strace $0x9FFFFFFF  }
0xc2: {  	(tm) =	ssettm $0x7FFFFFFF  }
0xc3: {  	_ =	shalt  }
tec
execute0_lowered:
.L_overlay_start_1:
0x0: {  	(tag) =	ssettag $0x1  }
0x1: {  	s1 =	srdreg.scid  }
0x2: {  	s0 =	stileid.u32;
	s2 =	rddreg [dreg:$0x0]  }
0x3: {  	s10 =	rddreg [dreg:$0x1];
	s3 =	simm.s32 $0x0;
	s12 =	simm.s32 $0x4000  }
0x4: {  	s13 =	simm.s32 $0x6000;
	s14 =	simm.s32 $0x400;
	s15 =	simm.s32 $0x7A1400  }
0x5: {  	s16 =	simm.s32 $0x3;
	s17 =	simm.s32 $0x1;
	s18 =	simm.s32 $0x2000  }
0x6: {  	s19 =	simm.s32 $0x2;
	s20 =	simm.s32 $0x8000;
	s21 =	simm.s32 $0xA000  }
0x7: {  	s22 =	simm.s32 $0x0;
	s5 =	sand.u32 $0x1, s1;
	s31 =	sshll.u32 s0, $0x1  }
0x8: {  	v0 =	vlaneseq.u32;
	[smem:$0x7FF] =	sst s3;
	s4 =	sadd.s32 $0xA00, s10;
	s6 =	sor.u32 s5, s31  }
0x9: {  	s10 =	sadd.s32 $0x7A1A00, s10;
	v1 =	vand.u32 $0x1, v0;
	v2 =	vshrl.u32 v0, $0x1;
	v6 =	vmul.u32 $0x41, v0;
	s8 =	ssub.s32 $0x2, s5;
	s7 =	smul.u32 $0x3D400, s6  }
0xa: {  	v3 =	vor.u32 $0x800, v0;
	v5 =	vor.u32 $0x1000, v0;
	_ =	strace $0x80000047;
	v1 =	vmul.u32 $0x40, v1;
	s9 =	sshrl.u32 s8, $0x1;
	s5 =	smul.u32 $0xF5, s6  }
0xb: {  	v7 =	vor.u32 $0x1800, v0;
	v9 =	vmul.u32 $0x40, v0;
	v2 =	vmul.u32 $0x80, v2;
	s11 =	ssub.s32 s8, s9;
	s9 =	sadd.s32 $0xF4200, s2;
	s6 =	sadd.s32 s4, s7  }
0xc: {  	v6 =	vadd.s32 $0x20, v6;
	v4 =	vor.u32 $0x10, v1;
	v8 =	vor.u32 $0x30, v1;
	s8 =	sadd.s32 $0x1, s5;
	s11 =	smax.u32 s11, $0x1;
	s7 =	sadd.s32 $0x400, s6  }
.LBB2_1:
0xd: {  	[hbm4b:s6+s3] =	stream.linear.scatter [tilespmem:s12], [sflag:$0x1], $0x2000, $0x38;
	[tilespmem:$0xB000] =	vst v63  }
0xe: {  	s23 =	simm.s32 $0x0  }
0xf: {  	[hbm4b:s7+s3] =	stream.linear.scatter [tilespmem:s13], [sflag:$0x2], $0x2000, $0x38;
	[tilespmem:$0xB000] =	vst v63  }
.LBB2_2:
0x10: {  	s26 =	simm.s32 $0x0  }
0x11: {  	s29 =	simm.s32 $0x0;
	s28 =	sand.u32 $0xE, s26  }
0x12: {  	s30 =	sand.u32 $0x1C00, s29;
	s26 =	sand.u32 $0x70, s26;
	v11 =	vadd.s32 s28, v0  }
0x13: {  	s24 =	sshll.u32 s23, $0x1;
	v12 =	vor.u32 s30, v2;
	v21 =	vor.u32 s26, v7;
	v16 =	vor.u32 s26, v0  }
0x14: {  	s25 =	sadd.s32 s5, s24;
	s31 =	sor.u32 $0x1, s28;
	v17 =	vor.u32 s26, v3;
	v24 =	vor.u32 s26, v5;
	v27 =	vadd.s32 s28, v6  }
0x15: {  	s25 =	smin.u32 s25, $0x1E83;
	v10 =	vand.u32 $0xF, v11;
	v13 =	vadd.s32 s31, v0;
	v25 =	vor.u32 v11, v12  }
0x16: {  	s1 =	sshll.u32 s25, $0x7;
	v14 =	vshll.u32 v10, $0x7;
	v15 =	vand.u32 $0xF, v13;
	v20 =	vor.u32 v12, v10  }
0x17: {  	s1 =	sadd.s32 s2, s1;
	v22 =	vshll.u32 v13, $0x7;
	v13 =	vor.u32 v13, v12;
	v18 =	vshll.u32 v15, $0x7  }
0x18: {  	v19 =	vor.u32 v16, v14;
	[tilespmem:s29], [sflag:$0x3] =	stream.strided.gather [hbm4b:s1+s14], $0x2000, s15, s14, $0x38;
	v15 =	vor.u32 s30, v15;
	v23 =	vor.u32 v22, v17;
	[tilespmem:$0xB000] =	vst v63  }
0x19: {  	v26 =	vor.u32 v14, v24;
	v14 =	vadd.s32 s31, v6;
	v10 =	vor.u32 v8, v13;
	_ =	swait.ge [sflag:s16], $0x2000  }
0x1a: {  	v28 =	vor.u32 v22, v21;
	v22 =	vshll.u32 v11, $0x7;
	v16 =	vor.u32 v16, v18;
	[sflag:s16] =	ssyncset.done $0x0  }
0x1b: {  	s28 =	simm.s32 $0x80;
	v11 =	vor.u32 v1, v20;
	v20 =	vand.u32 $0x6F, v27;
	v27 =	vor.u32 v4, v25;
	[sflag:s16] =	ssyncadd.s32 $0xFFFFE000  }
0x1c: {  	s26 =	simm.s32 $0x2;
	s28 =	sand.u32 $0x1C00, s28;
	v13 =	vor.u32 v4, v13;
	v14 =	vand.u32 $0x6F, v14;
	v17 =	vor.u32 v22, v17;
	_ =	swait.ge [sflag:s17], $0x2000  }
0x1d: {  	s30 =	sand.u32 $0xE, s26;
	s1 =	sand.u32 $0x70, s26;
	v15 =	vor.u32 v9, v15;
	v30 =	vor.u32 v12, v20;
	v24 =	vor.u32 v18, v24;
	[sflag:s17] =	ssyncset.done $0x0  }
0x1e: {  	v18 =	vadd.s32 s30, v0;
	v20 =	vor.u32 s28, v2;
	v34 =	vor.u32 s1, v0;
	[sflag:s17] =	ssyncadd.s32 $0xFFFFE000  }
0x1f: {  	s31 =	sor.u32 $0x1, s30;
	v35 =	vor.u32 s1, v3;
	v41 =	vor.u32 s1, v5;
	v29 =	vor.u32 v12, v14;
	v14 =	vld.idx.msk [tilespmem:v16+s3+$0x0], $0xffff  }
0x20: {  	s26 =	simm.s32 $0x4;
	v51 =	vadd.s32 s30, v6;
	v55 =	vor.u32 v22, v21;
	v31 =	vadd.s32 s31, v0;
	v33 =	vld.idx.msk [tilespmem:v19+s3+$0x0], $0xffff  }
0x21: {  	v12 =	vor.u32 s1, v7;
	s1 =	sand.u32 $0xE, s26;
	v16 =	vand.u32 $0xF, v18;
	v19 =	vand.u32 $0xF, v31  }
0x22: {  	v56 =	vadd.s32 s1, v0;
	v32 =	vshll.u32 v16, $0x7;
	v36 =	vshll.u32 v19, $0x7  }
0x23: {  	v38 =	vor.u32 v20, v16;
	v39 =	vor.u32 s28, v19;
	v37 =	vor.u32 v34, v32  }
0x24: {  	v16 =	vadd.s32 s31, v6;
	v34 =	vor.u32 v34, v36;
	v19 =	vor.u32 v32, v41;
	[tilespmem:v15+s12+$0x0] =	vst.idx.msk $0xffff, v14  }
0x25: {  	v63 =	vadd.s32 s1, v6;
	s31 =	sand.u32 $0x70, s26;
	v52 =	vand.u32 $0x6F, v16;
	v38 =	vor.u32 v1, v38;
	[tilespmem:v11+s12+$0x0] =	vst.idx.msk $0xffff, v33;
	v23 =	vld.idx.msk [tilespmem:v23+s3+$0x0], $0xffff  }
0x26: {  	v54 =	vor.u32 v9, v39;
	v60 =	vor.u32 s31, v3;
	v32 =	vor.u32 s31, v5;
	v42 =	vld.idx.msk [tilespmem:v17+s3+$0x0], $0xffff  }
0x27: {  	v15 =	vshll.u32 v31, $0x7;
	v14 =	vor.u32 v18, v20;
	v31 =	vor.u32 v31, v20  }
0x28: {  	v40 =	vor.u32 v15, v35;
	v16 =	vor.u32 v15, v12;
	v15 =	vshll.u32 v18, $0x7;
	v37 =	vld.idx.msk [tilespmem:v37+s3+$0x0], $0xffff  }
0x29: {  	v11 =	vor.u32 v8, v31;
	v18 =	vor.u32 v20, v52;
	v53 =	vor.u32 v15, v35;
	v34 =	vld.idx.msk [tilespmem:v34+s3+$0x0], $0xffff  }
0x2a: {  	s30 =	sor.u32 $0x1, s1;
	v17 =	vand.u32 $0x6F, v51;
	v57 =	vor.u32 v4, v14;
	v43 =	vor.u32 v4, v31;
	[tilespmem:v13+s12+$0x0] =	vst.idx.msk $0xffff, v23  }
0x2b: {  	v39 =	vshll.u32 v56, $0x7;
	v31 =	vadd.s32 s30, v0;
	v17 =	vor.u32 v20, v17;
	[tilespmem:v27+s12+$0x0] =	vst.idx.msk $0xffff, v42;
	v23 =	vld.idx.msk [tilespmem:v24+s3+$0x0], $0xffff  }
0x2c: {  	s28 =	simm.s32 $0x100;
	v20 =	vor.u32 v36, v41;
	v13 =	vor.u32 v8, v25;
	v25 =	vand.u32 $0xF, v31;
	v58 =	vld.idx.msk [tilespmem:v26+s3+$0x0], $0xffff  }
0x2d: {  	s29 =	sand.u32 $0x1C00, s28;
	v24 =	vand.u32 $0xF, v56;
	[tilespmem:v38+s12+$0x0] =	vst.idx.msk $0xffff, v37;
	v26 =	vor.u32 s31, v0;
	v27 =	vshll.u32 v25, $0x7  }
0x2e: {  	v22 =	vor.u32 s29, v2;
	[tilespmem:v54+s12+$0x0] =	vst.idx.msk $0xffff, v34;
	v59 =	vshll.u32 v24, $0x7;
	v44 =	vld.idx.msk [tilespmem:v53+s3+$0x0], $0xffff;
	v47 =	vor.u32 v26, v27  }
0x2f: {  	v45 =	vshll.u32 v31, $0x7;
	v31 =	vor.u32 v31, v22;
	v46 =	vld.idx.msk [tilespmem:v40+s3+$0x0], $0xffff;
	v61 =	vor.u32 v26, v59  }
0x30: {  	v48 =	vor.u32 s29, v25;
	v25 =	vor.u32 v56, v22;
	v34 =	vor.u32 v39, v60;
	[tilespmem:v29+s12+$0x0] =	vst.idx.msk $0xffff, v23  }
0x31: {  	v62 =	vor.u32 v22, v24;
	v24 =	vor.u32 v8, v31;
	[tilespmem:v30+s12+$0x0] =	vst.idx.msk $0xffff, v58;
	v29 =	vld.idx.msk [tilespmem:v28+s3+$0x0], $0xffff  }
0x32: {  	v37 =	vor.u32 v9, v48;
	v26 =	vor.u32 v45, v60;
	v35 =	vor.u32 v1, v62;
	v30 =	vld.idx.msk [tilespmem:v55+s3+$0x0], $0xffff  }
0x33: {  	v21 =	vor.u32 s31, v7;
	v23 =	vadd.s32 s30, v6;
	v28 =	vor.u32 v59, v32;
	[tilespmem:v57+s12+$0x0] =	vst.idx.msk $0xffff, v44;
	v36 =	vld.idx.msk [tilespmem:v47+s3+$0x0], $0xffff  }
0x34: {  	v40 =	vand.u32 $0x6F, v63;
	v38 =	vand.u32 $0x6F, v23;
	v23 =	vor.u32 v45, v21;
	[tilespmem:v43+s12+$0x0] =	vst.idx.msk $0xffff, v46;
	v33 =	vld.idx.msk [tilespmem:v61+s3+$0x0], $0xffff  }
.LBB2_3:
0x35: {  	s26 =	sadd.s32 $0x2, s26;
	v40 =	vor.u32 v22, v40;
	v38 =	vor.u32 v22, v38;
	v41 =	vld.idx.msk [tilespmem:v20+s3+$0x0], $0xffff;
	v22 =	vmovc v15;
	v15 =	vmov v39  }
0x36: {  	v20 =	vor.u32 v27, v32;
	s28 =	sadd.s32 $0x80, s28;
	v14 =	vor.u32 v8, v14;
	s1 =	sand.u32 $0xE, s26;
	p0 =	slt.u32 s26, $0x7E;
	v39 =	vld.idx.msk [tilespmem:v19+s3+$0x0], $0xffff;
	v42 =	vor.u32 v22, v12  }
0x37: {  	v44 =	vor.u32 v4, v25;
	v45 =	vor.u32 v4, v31;
	s29 =	sand.u32 $0x1C00, s28;
	v43 =	vadd.s32 s1, v0;
	s30 =	sor.u32 $0x1, s1;
	[tilespmem:v10+s12+$0x0] =	vst.idx.msk $0xffff, v29  }
0x38: {  	s31 =	sand.u32 $0x70, s26;
	v12 =	vmovc v21;
	v22 =	vor.u32 s29, v2;
	v29 =	vand.u32 $0xF, v43;
	v31 =	vadd.s32 s30, v0;
	[tilespmem:v13+s12+$0x0] =	vst.idx.msk $0xffff, v30;
	v13 =	vmovc v14  }
0x39: {  	v19 =	vmovc v28;
	v21 =	vor.u32 s31, v7;
	v14 =	vmovc v25;
	v30 =	vshll.u32 v29, $0x7;
	v32 =	vand.u32 $0xF, v31;
	[tilespmem:v35+s12+$0x0] =	vst.idx.msk $0xffff, v33  }
0x3a: {  	v46 =	vor.u32 s31, v3;
	v10 =	vmovc v11;
	v25 =	vor.u32 s31, v0;
	v27 =	vshll.u32 v32, $0x7;
	v34 =	vld.idx.msk [tilespmem:v34+s3+$0x0], $0xffff;
	[tilespmem:v37+s12+$0x0] =	vst.idx.msk $0xffff, v36  }
0x3b: {  	v11 =	vmovc v24;
	v35 =	vor.u32 v22, v29;
	v33 =	vor.u32 v25, v30;
	v36 =	vshll.u32 v31, $0x7;
	v47 =	vld.idx.msk [tilespmem:v26+s3+$0x0], $0xffff  }
0x3c: {  	v48 =	vor.u32 s29, v32;
	v37 =	vor.u32 v25, v27;
	v26 =	vor.u32 v36, v46;
	[tilespmem:v18+s12+$0x0] =	vst.idx.msk $0xffff, v41  }
.Ltmp0:
0x3d: {  	v32 =	vor.u32 s31, v5;
	v31 =	vor.u32 v31, v22;
	v25 =	vor.u32 v43, v22;
	v18 =	vmovc v38;
	v29 =	vld.idx.msk [tilespmem:v16+s3+$0x0], $0xffff;
	(pc) =	sbr.rel @p0 .LBB2_3-.Ltmp0, $4  }
0x3e: {  	v49 =	vadd.s32 s30, v6;
	v28 =	vor.u32 v30, v32;
	v24 =	vor.u32 v8, v31;
	[tilespmem:v17+s12+$0x0] =	vst.idx.msk $0xffff, v39  }
0x3f: {  	v41 =	vadd.s32 s1, v6;
	v38 =	vand.u32 $0x6F, v49;
	v16 =	vmovc v23;
	v23 =	vor.u32 v36, v21;
	v17 =	vmovc v40;
	v30 =	vld.idx.msk [tilespmem:v42+s3+$0x0], $0xffff  }
0x40: {  	v35 =	vor.u32 v1, v35;
	v39 =	vshll.u32 v43, $0x7;
	v40 =	vand.u32 $0x6F, v41;
	v33 =	vld.idx.msk [tilespmem:v33+s3+$0x0], $0xffff;
	[tilespmem:v44+s12+$0x0] =	vst.idx.msk $0xffff, v34  }
0x41: {  	v34 =	vor.u32 v39, v46;
	v36 =	vld.idx.msk [tilespmem:v37+s3+$0x0], $0xffff;
	v37 =	vor.u32 v9, v48;
	[tilespmem:v45+s12+$0x0] =	vst.idx.msk $0xffff, v47  }
0x42: {  	_ =	sdelay $0x3  }
0x43: {  	[tilespmem:v37+s12+$0x0] =	vst.idx.msk $0xffff, v36  }
0x44: {  	v31 =	vor.u32 v4, v31;
	[tilespmem:v35+s12+$0x0] =	vst.idx.msk $0xffff, v33;
	v26 =	vld.idx.msk [tilespmem:v26+s3+$0x0], $0xffff  }
0x45: {  	v27 =	vor.u32 v27, v32;
	v61 =	vor.u32 v4, v25;
	v33 =	vld.idx.msk [tilespmem:v34+s3+$0x0], $0xffff;
	_ =	sdelay $0x2  }
0x46: {  	v20 =	vld.idx.msk [tilespmem:v20+s3+$0x0], $0xffff  }
0x47: {  	v19 =	vld.idx.msk [tilespmem:v19+s3+$0x0], $0xffff;
	[tilespmem:v31+s12+$0x0] =	vst.idx.msk $0xffff, v26  }
0x48: {  	v12 =	vor.u32 v15, v12;
	[tilespmem:v61+s12+$0x0] =	vst.idx.msk $0xffff, v33;
	v26 =	vor.u32 v22, v38;
	v15 =	vld.idx.msk [tilespmem:v27+s3+$0x0], $0xffff  }
0x49: {  	v22 =	vor.u32 v22, v40;
	v27 =	vld.idx.msk [tilespmem:v28+s3+$0x0], $0xffff  }
0x4a: {  	v21 =	vor.u32 v39, v21  }
0x4b: {  	[tilespmem:v18+s12+$0x0] =	vst.idx.msk $0xffff, v20  }
0x4c: {  	[tilespmem:v17+s12+$0x0] =	vst.idx.msk $0xffff, v19;
	v16 =	vld.idx.msk [tilespmem:v16+s3+$0x0], $0xffff  }
0x4d: {  	v14 =	vor.u32 v8, v14;
	v12 =	vld.idx.msk [tilespmem:v12+s3+$0x0], $0xffff;
	[tilespmem:v26+s12+$0x0] =	vst.idx.msk $0xffff, v15  }
0x4e: {  	[tilespmem:v22+s12+$0x0] =	vst.idx.msk $0xffff, v27;
	v15 =	vld.idx.msk [tilespmem:v23+s3+$0x0], $0xffff  }
0x4f: {  	[tilespmem:v10+s12+$0x0] =	vst.idx.msk $0xffff, v29;
	v10 =	vor.u32 v8, v25;
	s31 =	simm.s32 $0x0;
	v17 =	vld.idx.msk [tilespmem:v21+s3+$0x0], $0xffff  }
0x50: {  	s28 =	sand.u32 $0xE, s31;
	[tilespmem:v13+s12+$0x0] =	vst.idx.msk $0xffff, v30  }
0x51: {  	s29 =	sor.u32 $0x1, s28;
	[tilespmem:v11+s12+$0x0] =	vst.idx.msk $0xffff, v16  }
0x52: {  	s30 =	sand.u32 $0x70, s31;
	v13 =	vadd.s32 s29, v0;
	[tilespmem:v14+s12+$0x0] =	vst.idx.msk $0xffff, v12  }
0x53: {  	s1 =	sshll.u32 s25, $0xA;
	s24 =	sadd.s32 s24, s8;
	v11 =	vadd.s32 s28, v0;
	v22 =	vshll.u32 v13, $0x7;
	v21 =	vor.u32 s30, v7;
	[tilespmem:v24+s12+$0x0] =	vst.idx.msk $0xffff, v15  }
0x54: {  	s26 =	simm.s32 $0x0;
	s1 =	sadd.s32 s4, s1;
	s24 =	smin.u32 s24, $0x1E83;
	v16 =	vor.u32 s30, v0;
	v27 =	vadd.s32 s28, v6;
	v28 =	vor.u32 v22, v21;
	[tilespmem:v10+s12+$0x0] =	vst.idx.msk $0xffff, v17  }
0x55: {  	v10 =	vand.u32 $0xF, v11;
	v15 =	vand.u32 $0xF, v13;
	v17 =	vor.u32 s30, v3;
	[hbm4b:s1+s26] =	stream.linear.scatter [tilespmem:s12], [sflag:$0x1], $0x2000, $0x38;
	[tilespmem:$0xB000] =	vst v63  }
0x56: {  	s31 =	sshll.u32 s24, $0x7;
	v24 =	vor.u32 s30, v5;
	s26 =	sand.u32 $0x1C00, s26;
	v14 =	vshll.u32 v10, $0x7;
	v18 =	vshll.u32 v15, $0x7  }
0x57: {  	s25 =	sadd.s32 s2, s31;
	v23 =	vor.u32 v22, v17;
	v22 =	vshll.u32 v11, $0x7;
	v12 =	vor.u32 s26, v2  }
0x58: {  	v19 =	vor.u32 v16, v14;
	v16 =	vor.u32 v16, v18;
	v15 =	vor.u32 s26, v15;
	[tilespmem:s18], [sflag:$0x3] =	stream.strided.gather [hbm4b:s25+s14], $0x2000, s15, s14, $0x38;
	[tilespmem:$0xB000] =	vst v63  }
0x59: {  	v26 =	vor.u32 v14, v24;
	v14 =	vadd.s32 s29, v6;
	v17 =	vor.u32 v22, v17;
	_ =	swait.ge [sflag:s16], $0x2000  }
0x5a: {  	v24 =	vor.u32 v18, v24;
	v55 =	vor.u32 v22, v21;
	v20 =	vor.u32 v12, v10;
	[sflag:s16] =	ssyncset.done $0x0  }
0x5b: {  	v25 =	vor.u32 v11, v12;
	v13 =	vor.u32 v13, v12;
	v14 =	vand.u32 $0x6F, v14;
	[sflag:s16] =	ssyncadd.s32 $0xFFFFE000  }
0x5c: {  	s25 =	simm.s32 $0x2;
	v15 =	vor.u32 v9, v15;
	v10 =	vor.u32 v8, v13;
	v11 =	vor.u32 v1, v20;
	_ =	swait.ge [sflag:s19], $0x2000  }
0x5d: {  	s29 =	simm.s32 $0x80;
	v20 =	vand.u32 $0x6F, v27;
	v29 =	vor.u32 v12, v14;
	s31 =	sand.u32 $0xE, s25;
	v27 =	vor.u32 v4, v25;
	[sflag:s19] =	ssyncset.done $0x0  }
0x5e: {  	s26 =	sand.u32 $0x1C00, s29;
	v13 =	vor.u32 v4, v13;
	s1 =	sand.u32 $0x70, s25;
	v30 =	vor.u32 v12, v20;
	v18 =	vadd.s32 s31, v0;
	[sflag:s19] =	ssyncadd.s32 $0xFFFFE000  }
0x5f: {  	s30 =	sor.u32 $0x1, s31;
	v20 =	vor.u32 s26, v2;
	v12 =	vor.u32 s1, v7;
	v44 =	vor.u32 s1, v0;
	v14 =	vld.idx.msk [tilespmem:v16+s18+$0x0], $0xffff  }
0x60: {  	s25 =	simm.s32 $0x4;
	v45 =	vor.u32 s1, v3;
	v41 =	vor.u32 s1, v5;
	v31 =	vadd.s32 s30, v0;
	v63 =	vld.idx.msk [tilespmem:v19+s18+$0x0], $0xffff  }
0x61: {  	v51 =	vadd.s32 s31, v6;
	s1 =	sand.u32 $0xE, s25;
	v16 =	vand.u32 $0xF, v18;
	v19 =	vand.u32 $0xF, v31  }
0x62: {  	v56 =	vadd.s32 s1, v0;
	v62 =	vshll.u32 v16, $0x7;
	v46 =	vshll.u32 v19, $0x7  }
0x63: {  	v48 =	vor.u32 v20, v16;
	v49 =	vor.u32 s26, v19;
	v47 =	vor.u32 v44, v62  }
0x64: {  	v16 =	vadd.s32 s30, v6;
	v34 =	vor.u32 v44, v46;
	v19 =	vor.u32 v62, v41;
	[tilespmem:v15+s13+$0x0] =	vst.idx.msk $0xffff, v14  }
0x65: {  	v39 =	vshll.u32 v56, $0x7;
	s30 =	sand.u32 $0x70, s25;
	v52 =	vand.u32 $0x6F, v16;
	v38 =	vor.u32 v1, v48;
	[tilespmem:v11+s13+$0x0] =	vst.idx.msk $0xffff, v63;
	v23 =	vld.idx.msk [tilespmem:v23+s18+$0x0], $0xffff  }
0x66: {  	v54 =	vor.u32 v9, v49;
	v21 =	vor.u32 s30, v7;
	v60 =	vor.u32 s30, v3;
	v42 =	vld.idx.msk [tilespmem:v17+s18+$0x0], $0xffff  }
0x67: {  	v15 =	vshll.u32 v31, $0x7;
	v14 =	vor.u32 v18, v20;
	v31 =	vor.u32 v31, v20  }
0x68: {  	v50 =	vor.u32 v15, v45;
	v16 =	vor.u32 v15, v12;
	v15 =	vshll.u32 v18, $0x7;
	v37 =	vld.idx.msk [tilespmem:v47+s18+$0x0], $0xffff  }
0x69: {  	v11 =	vor.u32 v8, v31;
	v18 =	vor.u32 v20, v52;
	v53 =	vor.u32 v15, v45;
	v34 =	vld.idx.msk [tilespmem:v34+s18+$0x0], $0xffff  }
0x6a: {  	s31 =	sor.u32 $0x1, s1;
	v17 =	vand.u32 $0x6F, v51;
	v57 =	vor.u32 v4, v14;
	v43 =	vor.u32 v4, v31;
	[tilespmem:v13+s13+$0x0] =	vst.idx.msk $0xffff, v23  }
0x6b: {  	v32 =	vor.u32 s30, v5;
	v31 =	vadd.s32 s31, v0;
	v17 =	vor.u32 v20, v17;
	[tilespmem:v27+s13+$0x0] =	vst.idx.msk $0xffff, v42;
	v23 =	vld.idx.msk [tilespmem:v24+s18+$0x0], $0xffff  }
0x6c: {  	s26 =	simm.s32 $0x100;
	v20 =	vor.u32 v46, v41;
	v13 =	vor.u32 v8, v25;
	v25 =	vand.u32 $0xF, v31;
	v58 =	vld.idx.msk [tilespmem:v26+s18+$0x0], $0xffff  }
0x6d: {  	s28 =	sand.u32 $0x1C00, s26;
	v24 =	vand.u32 $0xF, v56;
	[tilespmem:v38+s13+$0x0] =	vst.idx.msk $0xffff, v37;
	v26 =	vor.u32 s30, v0;
	v27 =	vshll.u32 v25, $0x7  }
0x6e: {  	v22 =	vor.u32 s28, v2;
	[tilespmem:v54+s13+$0x0] =	vst.idx.msk $0xffff, v34;
	v59 =	vshll.u32 v24, $0x7;
	v44 =	vld.idx.msk [tilespmem:v53+s18+$0x0], $0xffff;
	v47 =	vor.u32 v26, v27  }
0x6f: {  	v45 =	vshll.u32 v31, $0x7;
	v31 =	vor.u32 v31, v22;
	v46 =	vld.idx.msk [tilespmem:v50+s18+$0x0], $0xffff;
	v61 =	vor.u32 v26, v59  }
0x70: {  	v48 =	vor.u32 s28, v25;
	v25 =	vor.u32 v56, v22;
	v34 =	vor.u32 v39, v60;
	[tilespmem:v29+s13+$0x0] =	vst.idx.msk $0xffff, v23  }
0x71: {  	v62 =	vor.u32 v22, v24;
	v24 =	vor.u32 v8, v31;
	[tilespmem:v30+s13+$0x0] =	vst.idx.msk $0xffff, v58;
	v29 =	vld.idx.msk [tilespmem:v28+s18+$0x0], $0xffff  }
0x72: {  	v37 =	vor.u32 v9, v48;
	v26 =	vor.u32 v45, v60;
	v35 =	vor.u32 v1, v62;
	v30 =	vld.idx.msk [tilespmem:v55+s18+$0x0], $0xffff  }
0x73: {  	v63 =	vadd.s32 s1, v6;
	v23 =	vadd.s32 s31, v6;
	v28 =	vor.u32 v59, v32;
	[tilespmem:v57+s13+$0x0] =	vst.idx.msk $0xffff, v44;
	v36 =	vld.idx.msk [tilespmem:v47+s18+$0x0], $0xffff  }
0x74: {  	v40 =	vand.u32 $0x6F, v63;
	v38 =	vand.u32 $0x6F, v23;
	v23 =	vor.u32 v45, v21;
	[tilespmem:v43+s13+$0x0] =	vst.idx.msk $0xffff, v46;
	v33 =	vld.idx.msk [tilespmem:v61+s18+$0x0], $0xffff  }
.LBB2_5:
0x75: {  	s25 =	sadd.s32 $0x2, s25;
	v40 =	vor.u32 v22, v40;
	v38 =	vor.u32 v22, v38;
	v41 =	vld.idx.msk [tilespmem:v20+s18+$0x0], $0xffff;
	v22 =	vmovc v15;
	v15 =	vmov v39  }
0x76: {  	v20 =	vor.u32 v27, v32;
	s26 =	sadd.s32 $0x80, s26;
	v14 =	vor.u32 v8, v14;
	s1 =	sand.u32 $0xE, s25;
	p0 =	slt.u32 s25, $0x7E;
	v39 =	vld.idx.msk [tilespmem:v19+s18+$0x0], $0xffff;
	v42 =	vor.u32 v22, v12  }
0x77: {  	v44 =	vor.u32 v4, v25;
	v45 =	vor.u32 v4, v31;
	s28 =	sand.u32 $0x1C00, s26;
	v43 =	vadd.s32 s1, v0;
	s29 =	sor.u32 $0x1, s1;
	[tilespmem:v10+s13+$0x0] =	vst.idx.msk $0xffff, v29  }
0x78: {  	s30 =	sand.u32 $0x70, s25;
	v12 =	vmovc v21;
	v22 =	vor.u32 s28, v2;
	v29 =	vand.u32 $0xF, v43;
	v31 =	vadd.s32 s29, v0;
	[tilespmem:v13+s13+$0x0] =	vst.idx.msk $0xffff, v30;
	v13 =	vmovc v14  }
0x79: {  	v19 =	vmovc v28;
	v21 =	vor.u32 s30, v7;
	v14 =	vmovc v25;
	v30 =	vshll.u32 v29, $0x7;
	v32 =	vand.u32 $0xF, v31;
	[tilespmem:v35+s13+$0x0] =	vst.idx.msk $0xffff, v33  }
0x7a: {  	v46 =	vor.u32 s30, v3;
	v10 =	vmovc v11;
	v25 =	vor.u32 s30, v0;
	v27 =	vshll.u32 v32, $0x7;
	v34 =	vld.idx.msk [tilespmem:v34+s18+$0x0], $0xffff;
	[tilespmem:v37+s13+$0x0] =	vst.idx.msk $0xffff, v36  }
0x7b: {  	v11 =	vmovc v24;
	v35 =	vor.u32 v22, v29;
	v33 =	vor.u32 v25, v30;
	v36 =	vshll.u32 v31, $0x7;
	v47 =	vld.idx.msk [tilespmem:v26+s18+$0x0], $0xffff  }
0x7c: {  	v48 =	vor.u32 s28, v32;
	v37 =	vor.u32 v25, v27;
	v26 =	vor.u32 v36, v46;
	[tilespmem:v18+s13+$0x0] =	vst.idx.msk $0xffff, v41  }
.Ltmp1:
0x7d: {  	v32 =	vor.u32 s30, v5;
	v31 =	vor.u32 v31, v22;
	v25 =	vor.u32 v43, v22;
	v18 =	vmovc v38;
	v29 =	vld.idx.msk [tilespmem:v16+s18+$0x0], $0xffff;
	(pc) =	sbr.rel @p0 .LBB2_5-.Ltmp1, $4  }
0x7e: {  	v49 =	vadd.s32 s29, v6;
	v28 =	vor.u32 v30, v32;
	v24 =	vor.u32 v8, v31;
	[tilespmem:v17+s13+$0x0] =	vst.idx.msk $0xffff, v39  }
0x7f: {  	v41 =	vadd.s32 s1, v6;
	v38 =	vand.u32 $0x6F, v49;
	v16 =	vmovc v23;
	v23 =	vor.u32 v36, v21;
	v17 =	vmovc v40;
	v30 =	vld.idx.msk [tilespmem:v42+s18+$0x0], $0xffff  }
0x80: {  	v35 =	vor.u32 v1, v35;
	v39 =	vshll.u32 v43, $0x7;
	v40 =	vand.u32 $0x6F, v41;
	v33 =	vld.idx.msk [tilespmem:v33+s18+$0x0], $0xffff;
	[tilespmem:v44+s13+$0x0] =	vst.idx.msk $0xffff, v34  }
0x81: {  	v34 =	vor.u32 v39, v46;
	v36 =	vld.idx.msk [tilespmem:v37+s18+$0x0], $0xffff;
	v37 =	vor.u32 v9, v48;
	[tilespmem:v45+s13+$0x0] =	vst.idx.msk $0xffff, v47  }
0x82: {  	_ =	sdelay $0x3  }
0x83: {  	[tilespmem:v35+s13+$0x0] =	vst.idx.msk $0xffff, v33  }
0x84: {  	v58 =	vor.u32 v4, v25;
	[tilespmem:v37+s13+$0x0] =	vst.idx.msk $0xffff, v36;
	v33 =	vld.idx.msk [tilespmem:v34+s18+$0x0], $0xffff  }
0x85: {  	v31 =	vor.u32 v4, v31;
	v26 =	vld.idx.msk [tilespmem:v26+s18+$0x0], $0xffff  }
0x86: {  	v27 =	vor.u32 v27, v32;
	_ =	sdelay $0x1  }
0x87: {  	v20 =	vld.idx.msk [tilespmem:v20+s18+$0x0], $0xffff  }
0x88: {  	v19 =	vld.idx.msk [tilespmem:v19+s18+$0x0], $0xffff;
	[tilespmem:v58+s13+$0x0] =	vst.idx.msk $0xffff, v33  }
0x89: {  	v12 =	vor.u32 v15, v12;
	v61 =	vor.u32 v22, v40;
	[tilespmem:v31+s13+$0x0] =	vst.idx.msk $0xffff, v26;
	v62 =	vld.idx.msk [tilespmem:v28+s18+$0x0], $0xffff  }
0x8a: {  	v59 =	vor.u32 v22, v38;
	v21 =	vor.u32 v39, v21;
	v60 =	vld.idx.msk [tilespmem:v27+s18+$0x0], $0xffff  }
0x8b: {  	[tilespmem:v10+s13+$0x0] =	vst.idx.msk $0xffff, v29  }
0x8c: {  	[tilespmem:v18+s13+$0x0] =	vst.idx.msk $0xffff, v20  }
0x8d: {  	[tilespmem:v17+s13+$0x0] =	vst.idx.msk $0xffff, v19;
	v16 =	vld.idx.msk [tilespmem:v16+s18+$0x0], $0xffff  }
0x8e: {  	v14 =	vor.u32 v8, v14;
	v12 =	vld.idx.msk [tilespmem:v12+s18+$0x0], $0xffff;
	[tilespmem:v61+s13+$0x0] =	vst.idx.msk $0xffff, v62  }
0x8f: {  	v10 =	vor.u32 v8, v25;
	[tilespmem:v59+s13+$0x0] =	vst.idx.msk $0xffff, v60;
	v63 =	vld.idx.msk [tilespmem:v21+s18+$0x0], $0xffff  }
0x90: {  	s23 =	sadd.s32 $0x1, s23;
	v15 =	vld.idx.msk [tilespmem:v23+s18+$0x0], $0xffff  }
0x91: {  	p0 =	sne.s32 s23, $0x7B;
	[tilespmem:v13+s13+$0x0] =	vst.idx.msk $0xffff, v30  }
.Ltmp2:
0x92: {  	[tilespmem:v11+s13+$0x0] =	vst.idx.msk $0xffff, v16;
	(pc) =	sbr.rel @p0 .LBB2_2-.Ltmp2, $4  }
0x93: {  	[tilespmem:v14+s13+$0x0] =	vst.idx.msk $0xffff, v12  }
0x94: {  	s1 =	sshll.u32 s24, $0xA;
	[tilespmem:v10+s13+$0x0] =	vst.idx.msk $0xffff, v63  }
0x95: {  	s1 =	sadd.s32 s4, s1;
	[tilespmem:v24+s13+$0x0] =	vst.idx.msk $0xffff, v15  }
0x96: {  	[hbm4b:s1+s3] =	stream.linear.scatter [tilespmem:s13], [sflag:$0x2], $0x2000, $0x38;
	[tilespmem:$0xB000] =	vst v63  }
0x97: {  	s1 =	simm.s32 $0x0;
	s24 =	simm.s32 $0x0  }
0x98: {  	s23 =	sand.u32 $0xE, s1;
	s24 =	sand.u32 $0xC00, s24  }
0x99: {  	s1 =	sand.u32 $0x30, s1;
	v11 =	vadd.s32 s23, v0;
	v12 =	vor.u32 s24, v2  }
0x9a: {  	v21 =	vor.u32 s1, v7;
	v16 =	vor.u32 s1, v0;
	v17 =	vor.u32 s1, v3  }
0x9b: {  	s25 =	sor.u32 $0x1, s23;
	v24 =	vor.u32 s1, v5;
	v27 =	vadd.s32 s23, v6;
	v10 =	vand.u32 $0xF, v11  }
0x9c: {  	_ =	swait.ge [sflag:s17], $0x2000;
	s23 =	simm.s32 $0x4;
	v13 =	vadd.s32 s25, v0;
	v25 =	vor.u32 v11, v12;
	v14 =	vshll.u32 v10, $0x7  }
0x9d: {  	[sflag:s17] =	ssyncset.done $0x0;
	s30 =	sand.u32 $0xE, s23;
	v15 =	vand.u32 $0xF, v13;
	v20 =	vor.u32 v12, v10;
	v22 =	vshll.u32 v13, $0x7  }
0x9e: {  	[sflag:s17] =	ssyncadd.s32 $0xFFFFE000;
	v13 =	vor.u32 v13, v12;
	v56 =	vadd.s32 s30, v0;
	v63 =	vadd.s32 s30, v6  }
0x9f: {  	_ =	swait.ge [sflag:s19], $0x2000;
	v18 =	vshll.u32 v15, $0x7;
	v19 =	vor.u32 v16, v14;
	v15 =	vor.u32 s24, v15  }
0xa0: {  	[sflag:s19] =	ssyncset.done $0x0;
	v23 =	vor.u32 v22, v17;
	v26 =	vor.u32 v14, v24;
	v14 =	vadd.s32 s25, v6  }
0xa1: {  	[sflag:s19] =	ssyncadd.s32 $0xFFFFE000;
	v10 =	vor.u32 v8, v13;
	v28 =	vor.u32 v22, v21;
	v22 =	vshll.u32 v11, $0x7  }
0xa2: {  	v11 =	vor.u32 v1, v20;
	v20 =	vand.u32 $0x6F, v27;
	v16 =	vor.u32 v16, v18;
	[tilespmem:s20], [sflag:$0x3] =	stream.strided.gather [hbm4b:s9+s14], $0x2000, s15, s14, $0x38;
	[tilespmem:$0xB000] =	vst v63  }
0xa3: {  	s28 =	simm.s32 $0x80;
	v27 =	vor.u32 v4, v25;
	v13 =	vor.u32 v4, v13;
	v14 =	vand.u32 $0x6F, v14;
	_ =	swait.ge [sflag:s16], $0x2000  }
0xa4: {  	s25 =	simm.s32 $0x2;
	s24 =	sand.u32 $0xC00, s28;
	v17 =	vor.u32 v22, v17;
	v15 =	vor.u32 v9, v15;
	v30 =	vor.u32 v12, v20;
	[sflag:s16] =	ssyncset.done $0x0  }
0xa5: {  	s28 =	sand.u32 $0x30, s23;
	s26 =	sand.u32 $0xE, s25;
	v24 =	vor.u32 v18, v24;
	v20 =	vor.u32 s24, v2;
	v55 =	vor.u32 v22, v21;
	[sflag:s16] =	ssyncadd.s32 $0xFFFFE000  }
0xa6: {  	s1 =	sand.u32 $0x30, s25;
	v60 =	vor.u32 s28, v3;
	v29 =	vor.u32 v12, v14;
	v18 =	vadd.s32 s26, v0;
	v33 =	vld.idx.msk [tilespmem:v19+s20+$0x0], $0xffff  }
0xa7: {  	s29 =	sor.u32 $0x1, s26;
	v12 =	vor.u32 s1, v7;
	v34 =	vor.u32 s1, v0;
	v35 =	vor.u32 s1, v3;
	v14 =	vld.idx.msk [tilespmem:v16+s20+$0x0], $0xffff  }
0xa8: {  	v41 =	vor.u32 s1, v5;
	v31 =	vadd.s32 s29, v0;
	v16 =	vand.u32 $0xF, v18  }
0xa9: {  	v51 =	vadd.s32 s26, v6;
	v19 =	vand.u32 $0xF, v31;
	v32 =	vshll.u32 v16, $0x7  }
0xaa: {  	v36 =	vshll.u32 v19, $0x7;
	v39 =	vor.u32 s24, v19;
	v37 =	vor.u32 v34, v32  }
0xab: {  	v38 =	vor.u32 v20, v16;
	v16 =	vadd.s32 s29, v6;
	v34 =	vor.u32 v34, v36;
	[tilespmem:v11+s21+$0x0] =	vst.idx.msk $0xffff, v33  }
0xac: {  	v54 =	vor.u32 v9, v39;
	v19 =	vor.u32 v32, v41;
	[tilespmem:v15+s21+$0x0] =	vst.idx.msk $0xffff, v14;
	v42 =	vld.idx.msk [tilespmem:v17+s20+$0x0], $0xffff  }
0xad: {  	v52 =	vand.u32 $0x6F, v16;
	v38 =	vor.u32 v1, v38;
	v15 =	vshll.u32 v31, $0x7;
	v23 =	vld.idx.msk [tilespmem:v23+s20+$0x0], $0xffff  }
0xae: {  	v14 =	vor.u32 v18, v20;
	v31 =	vor.u32 v31, v20;
	v17 =	vand.u32 $0x6F, v51  }
0xaf: {  	v40 =	vor.u32 v15, v35;
	v16 =	vor.u32 v15, v12;
	v15 =	vshll.u32 v18, $0x7;
	v37 =	vld.idx.msk [tilespmem:v37+s20+$0x0], $0xffff  }
0xb0: {  	s24 =	simm.s32 $0x100;
	v11 =	vor.u32 v8, v31;
	v17 =	vor.u32 v20, v17;
	v53 =	vor.u32 v15, v35;
	v34 =	vld.idx.msk [tilespmem:v34+s20+$0x0], $0xffff  }
0xb1: {  	s26 =	sor.u32 $0x1, s30;
	s31 =	sand.u32 $0xC00, s24;
	v39 =	vshll.u32 v56, $0x7;
	v18 =	vor.u32 v20, v52;
	v20 =	vor.u32 v36, v41;
	[tilespmem:v27+s21+$0x0] =	vst.idx.msk $0xffff, v42  }
0xb2: {  	v22 =	vor.u32 s31, v2;
	v43 =	vor.u32 v4, v31;
	v31 =	vadd.s32 s26, v0;
	[tilespmem:v13+s21+$0x0] =	vst.idx.msk $0xffff, v23;
	v58 =	vld.idx.msk [tilespmem:v26+s20+$0x0], $0xffff  }
0xb3: {  	v57 =	vor.u32 v4, v14;
	v13 =	vor.u32 v8, v25;
	v25 =	vand.u32 $0xF, v31;
	v23 =	vld.idx.msk [tilespmem:v24+s20+$0x0], $0xffff  }
0xb4: {  	v26 =	vor.u32 s28, v0;
	v24 =	vand.u32 $0xF, v56;
	[tilespmem:v38+s21+$0x0] =	vst.idx.msk $0xffff, v37;
	v27 =	vshll.u32 v25, $0x7  }
0xb5: {  	v32 =	vor.u32 s28, v5;
	[tilespmem:v54+s21+$0x0] =	vst.idx.msk $0xffff, v34;
	v59 =	vshll.u32 v24, $0x7;
	v44 =	vld.idx.msk [tilespmem:v53+s20+$0x0], $0xffff;
	v47 =	vor.u32 v26, v27  }
0xb6: {  	v45 =	vshll.u32 v31, $0x7;
	v31 =	vor.u32 v31, v22;
	v46 =	vld.idx.msk [tilespmem:v40+s20+$0x0], $0xffff;
	v61 =	vor.u32 v26, v59  }
0xb7: {  	v48 =	vor.u32 s31, v25;
	v25 =	vor.u32 v56, v22;
	v34 =	vor.u32 v39, v60;
	[tilespmem:v30+s21+$0x0] =	vst.idx.msk $0xffff, v58  }
0xb8: {  	v62 =	vor.u32 v22, v24;
	v24 =	vor.u32 v8, v31;
	[tilespmem:v29+s21+$0x0] =	vst.idx.msk $0xffff, v23;
	v30 =	vld.idx.msk [tilespmem:v55+s20+$0x0], $0xffff  }
0xb9: {  	v37 =	vor.u32 v9, v48;
	v26 =	vor.u32 v45, v60;
	v35 =	vor.u32 v1, v62;
	v29 =	vld.idx.msk [tilespmem:v28+s20+$0x0], $0xffff  }
0xba: {  	v21 =	vor.u32 s28, v7;
	v23 =	vadd.s32 s26, v6;
	v28 =	vor.u32 v59, v32;
	[tilespmem:v57+s21+$0x0] =	vst.idx.msk $0xffff, v44;
	v36 =	vld.idx.msk [tilespmem:v47+s20+$0x0], $0xffff  }
0xbb: {  	v40 =	vand.u32 $0x6F, v63;
	v38 =	vand.u32 $0x6F, v23;
	v23 =	vor.u32 v45, v21;
	[tilespmem:v43+s21+$0x0] =	vst.idx.msk $0xffff, v46;
	v33 =	vld.idx.msk [tilespmem:v61+s20+$0x0], $0xffff  }
.LBB2_8:
0xbc: {  	s23 =	sadd.s32 $0x2, s23;
	v40 =	vor.u32 v22, v40;
	v38 =	vor.u32 v22, v38;
	v41 =	vld.idx.msk [tilespmem:v20+s20+$0x0], $0xffff;
	v22 =	vmovc v15;
	v15 =	vmov v39  }
0xbd: {  	v20 =	vor.u32 v27, v32;
	s24 =	sadd.s32 $0x80, s24;
	v14 =	vor.u32 v8, v14;
	s1 =	sand.u32 $0xE, s23;
	p0 =	slt.u32 s23, $0x3E;
	v39 =	vld.idx.msk [tilespmem:v19+s20+$0x0], $0xffff;
	v42 =	vor.u32 v22, v12  }
0xbe: {  	v44 =	vor.u32 v4, v25;
	v45 =	vor.u32 v4, v31;
	s25 =	sand.u32 $0xC00, s24;
	v43 =	vadd.s32 s1, v0;
	s26 =	sor.u32 $0x1, s1;
	[tilespmem:v10+s21+$0x0] =	vst.idx.msk $0xffff, v29  }
0xbf: {  	s28 =	sand.u32 $0x30, s23;
	v12 =	vmovc v21;
	v22 =	vor.u32 s25, v2;
	v29 =	vand.u32 $0xF, v43;
	v31 =	vadd.s32 s26, v0;
	[tilespmem:v13+s21+$0x0] =	vst.idx.msk $0xffff, v30;
	v13 =	vmovc v14  }
0xc0: {  	v19 =	vmovc v28;
	v21 =	vor.u32 s28, v7;
	v14 =	vmovc v25;
	v30 =	vshll.u32 v29, $0x7;
	v32 =	vand.u32 $0xF, v31;
	[tilespmem:v35+s21+$0x0] =	vst.idx.msk $0xffff, v33  }
0xc1: {  	v46 =	vor.u32 s28, v3;
	v10 =	vmovc v11;
	v25 =	vor.u32 s28, v0;
	v27 =	vshll.u32 v32, $0x7;
	v34 =	vld.idx.msk [tilespmem:v34+s20+$0x0], $0xffff;
	[tilespmem:v37+s21+$0x0] =	vst.idx.msk $0xffff, v36  }
0xc2: {  	v11 =	vmovc v24;
	v35 =	vor.u32 v22, v29;
	v33 =	vor.u32 v25, v30;
	v36 =	vshll.u32 v31, $0x7;
	v47 =	vld.idx.msk [tilespmem:v26+s20+$0x0], $0xffff  }
0xc3: {  	v48 =	vor.u32 s25, v32;
	v37 =	vor.u32 v25, v27;
	v26 =	vor.u32 v36, v46;
	[tilespmem:v18+s21+$0x0] =	vst.idx.msk $0xffff, v41  }
.Ltmp3:
0xc4: {  	v32 =	vor.u32 s28, v5;
	v31 =	vor.u32 v31, v22;
	v25 =	vor.u32 v43, v22;
	v18 =	vmovc v38;
	v29 =	vld.idx.msk [tilespmem:v16+s20+$0x0], $0xffff;
	(pc) =	sbr.rel @p0 .LBB2_8-.Ltmp3, $4  }
0xc5: {  	v49 =	vadd.s32 s26, v6;
	v28 =	vor.u32 v30, v32;
	v24 =	vor.u32 v8, v31;
	[tilespmem:v17+s21+$0x0] =	vst.idx.msk $0xffff, v39  }
0xc6: {  	v41 =	vadd.s32 s1, v6;
	v38 =	vand.u32 $0x6F, v49;
	v16 =	vmovc v23;
	v23 =	vor.u32 v36, v21;
	v17 =	vmovc v40;
	v30 =	vld.idx.msk [tilespmem:v42+s20+$0x0], $0xffff  }
0xc7: {  	v35 =	vor.u32 v1, v35;
	v39 =	vshll.u32 v43, $0x7;
	v40 =	vand.u32 $0x6F, v41;
	v33 =	vld.idx.msk [tilespmem:v33+s20+$0x0], $0xffff;
	[tilespmem:v44+s21+$0x0] =	vst.idx.msk $0xffff, v34  }
0xc8: {  	v34 =	vor.u32 v39, v46;
	v36 =	vld.idx.msk [tilespmem:v37+s20+$0x0], $0xffff;
	v37 =	vor.u32 v9, v48;
	[tilespmem:v45+s21+$0x0] =	vst.idx.msk $0xffff, v47  }
0xc9: {  	_ =	sdelay $0x3  }
0xca: {  	[tilespmem:v35+s21+$0x0] =	vst.idx.msk $0xffff, v33  }
0xcb: {  	v58 =	vor.u32 v4, v25;
	[tilespmem:v37+s21+$0x0] =	vst.idx.msk $0xffff, v36;
	v33 =	vld.idx.msk [tilespmem:v34+s20+$0x0], $0xffff  }
0xcc: {  	v31 =	vor.u32 v4, v31;
	v26 =	vld.idx.msk [tilespmem:v26+s20+$0x0], $0xffff  }
0xcd: {  	v27 =	vor.u32 v27, v32;
	_ =	sdelay $0x1  }
0xce: {  	v20 =	vld.idx.msk [tilespmem:v20+s20+$0x0], $0xffff  }
0xcf: {  	v19 =	vld.idx.msk [tilespmem:v19+s20+$0x0], $0xffff;
	[tilespmem:v58+s21+$0x0] =	vst.idx.msk $0xffff, v33  }
0xd0: {  	v12 =	vor.u32 v15, v12;
	v61 =	vor.u32 v22, v40;
	[tilespmem:v31+s21+$0x0] =	vst.idx.msk $0xffff, v26;
	v62 =	vld.idx.msk [tilespmem:v28+s20+$0x0], $0xffff  }
0xd1: {  	v59 =	vor.u32 v22, v38;
	v21 =	vor.u32 v39, v21;
	v60 =	vld.idx.msk [tilespmem:v27+s20+$0x0], $0xffff  }
0xd2: {  	[tilespmem:v10+s21+$0x0] =	vst.idx.msk $0xffff, v29  }
0xd3: {  	[tilespmem:v18+s21+$0x0] =	vst.idx.msk $0xffff, v20  }
0xd4: {  	[tilespmem:v17+s21+$0x0] =	vst.idx.msk $0xffff, v19;
	v16 =	vld.idx.msk [tilespmem:v16+s20+$0x0], $0xffff  }
0xd5: {  	v14 =	vor.u32 v8, v14;
	v12 =	vld.idx.msk [tilespmem:v12+s20+$0x0], $0xffff;
	[tilespmem:v61+s21+$0x0] =	vst.idx.msk $0xffff, v62  }
0xd6: {  	v10 =	vor.u32 v8, v25;
	[tilespmem:v59+s21+$0x0] =	vst.idx.msk $0xffff, v60;
	v63 =	vld.idx.msk [tilespmem:v21+s20+$0x0], $0xffff  }
0xd7: {  	v15 =	vld.idx.msk [tilespmem:v23+s20+$0x0], $0xffff  }
0xd8: {  	[tilespmem:v13+s21+$0x0] =	vst.idx.msk $0xffff, v30  }
0xd9: {  	[tilespmem:v11+s21+$0x0] =	vst.idx.msk $0xffff, v16  }
0xda: {  	s22 =	sadd.s32 $0x1, s22;
	[tilespmem:v14+s21+$0x0] =	vst.idx.msk $0xffff, v12  }
0xdb: {  	p0 =	sne.s32 s22, s11;
	[tilespmem:v10+s21+$0x0] =	vst.idx.msk $0xffff, v63  }
.Ltmp4:
0xdc: {  	[tilespmem:v24+s21+$0x0] =	vst.idx.msk $0xffff, v15;
	(pc) =	sbr.rel @p0 .LBB2_1-.Ltmp4, $4  }
0xdd: {  	[hbm4b:s10+s3] =	stream.linear.scatter [tilespmem:s21], [sflag:$0x3], $0x1000, $0x38;
	[tilespmem:$0xB000] =	vst v63  }
0xde: {  	_ =	swait.ge [sflag:s16], $0x1000  }
0xdf: {  	[sflag:s16] =	ssyncset.done $0x0  }
0xe0: {  	[sflag:s16] =	ssyncadd.s32 $0xFFFFF000  }
0xe1: {  	_ =	sfence.sel $0x180000  }
0xe2: {  	[bflag:$0x0] =	sbarrier.arrive $0xFFFF  }
0xe3: {  	_ =	strace $0x90000047  }
0xe4: {  	[bflag:$0x2] =	sbarrier.arrive $0xFFFF  }
0xe5: {  	p0 =	sne.s32 s0, $0x0;
	s0 =	rddreg [dreg:$0x2]  }
0xe6: {  	s0 =	sadd.s32 @!p0 $0x100000, s0  }
0xe7: {  	[sflag:s0] =	ssyncadd.tile.s32 @!p0 $0x1;
	_ =	shalt  }
.Lfunc_end2:
_tile_overlayer_lowered:
.L_overlay_start_2:
0xe8: {  	(tag) =	ssettag $0x2  }
0xe9: {  	s0 =	rddreg [dreg:$0x0];
	s2 =	stileid.u32  }
0xea: {  	s1 =	rddreg [dreg:$0x1];
	p0 =	sne.s32 s2, $0x0  }
0xeb: {  	s3 =	rddreg [dreg:$0x2];
	[bflag:$0x3] =	sbarrier.arrive $0xFFFF;
	s2 =	simm.s32 @!p0 $0x1C03  }
0xec: {  	[timem:s3], [sflag:s2] =	dma.local @!p0 [hbm:s0], s1  }
0xed: {  	s0 =	simm.s32 @!p0 $0x3  }
0xee: {  	_ =	swait.ge @!p0 [sflag:s0], s1  }
0xef: {  	s1 =	ssub.s32 @!p0 $0x0, s1;
	[sflag:s0] =	ssyncset.done @!p0 $0x0  }
0xf0: {  	[sflag:s0] =	ssyncadd.s32 @!p0 s1  }
0xf1: {  	[bflag:$0x3] =	sbarrier.arrive $0xFFFF  }
0xf2: {  	_ =	shalt  }

// kernel: kernel.7.cloned.1.call-start
scs
__scs_entry_jumppad:
0x0: {  	(pc) =	sbr.rel $0x88, $3  }
0x1: {  	(tag) =	ssettag $0x0;
	lr =	simm.s32 $0x1  }
0x2: {  	[smem:$0x3F9F] =	sst lr;
	_ =	strace $0xD0000000  }
0x3: {  	_ = 	snop  }
0x4: {  	_ = 	snop  }
0x5: {  	_ = 	snop  }
0x6: {  	_ = 	snop  }
0x7: {  	_ = 	snop  }
__scs_overlays_trampoline_lowered:
0x8: {  	[smem:$0x3FAE] =	sst s0  }
0x9: {  	[smem:$0x3FAF] =	sst s1  }
0xa: {  	[smem:$0x3FB0] =	sst s2  }
0xb: {  	[smem:$0x3FB1] =	sst s3  }
0xc: {  	[smem:$0x3FB2] =	sst s4  }
0xd: {  	[smem:$0x3FB3] =	sst s5  }
0xe: {  	[smem:$0x3FB4] =	sst s6  }
0xf: {  	[smem:$0x3FB5] =	sst s7  }
0x10: {  	[smem:$0x3FB6] =	sst s8  }
0x11: {  	[smem:$0x3FB7] =	sst s9;
	s0 =	simm.s32 @!p0 $0x0  }
0x12: {  	s1 =	sld [smem:$0x3F9D];
	s0 =	simm.s32 @p0 $0x1  }
0x13: {  	[smem:$0x3FB8] =	sst s0;
	s0 =	simm.s32 @!p1 $0x0  }
0x14: {  	s2 =	sld [smem:$0x3F9C];
	s0 =	simm.s32 @p1 $0x1  }
0x15: {  	[smem:$0x3FB9] =	sst s0;
	s0 =	simm.s32 @!p2 $0x0  }
0x16: {  	s3 =	sld [smem:$0x3FDB];
	s0 =	simm.s32 @p2 $0x1  }
0x17: {  	s4 =	simm.s32 $0x1BF5;
	[smem:$0x3FBB] =	sst s0  }
0x18: {  	s0 =	sld [smem:$0x3F9E];
	_ =	swait.ge [sflag:s4], $0x0  }
0x19: {  	s7 =	sld [smem:$0x3F9F]  }
0x1a: {  	s8 =	sadd.s32 $0xFFFFE003, lr  }
0x1b: {  	s9 =	sadd.s32 $0xFFFFFEF7, lr;
	s5 =	simm.s32 $0xFFFFFFFF;
	p2 =	slt.u32 s8, $0xFFFFF086  }
0x1c: {  	p1 =	slt.u32 s9, $0xF7A;
	s5 =	simm.s32 @!p2 $0x0  }
0x1d: {  	s5 =	simm.s32 @p1 $0x1;
	p0 =	seq.s32 s7, s2  }
0x1e: {  	s7 =	smul.u32 @!p0 $0xF7A, s2;
	p2 =	seq.s32 @!p0 s5, $0x0  }
0x1f: {  	s9 =	smul.u32 $0xF7A, s1;
	s8 =	simm.s32 @!p0 $0x1BF5;
	p2 =	por !p2, p0  }
0x20: {  	[sflag:s8] =	ssyncset.s32 @!p0 $0xFFFFF086;
	s6 =	sadd.s32 @!p0 s3, s7;
	s7 =	simm.s32 @!p0 $0x108  }
0x21: {  	s3 =	sadd.s32 s3, s9;
	s6 =	sadd.s32 @!p0 $0x88, s6;
	s7 =	simm.s32 @p2 $0x1082  }
0x22: {  	[simem:s7], [sflag:s8] =	dma.local @!p0 [hbm:s6], $0xF7A  }
0x23: {  	s9 =	sor.u32 $0xD0000000, s2;
	s6 =	simm.s32 $0x108;
	_ =	swait.ge @!p0 [sflag:s8], $0x0  }
0x24: {  	s3 =	sadd.s32 $0x88, s3;
	s6 =	simm.s32 @!p1 $0x1082;
	[sflag:s4] =	ssyncset.s32 $0xFFFFF086  }
0x25: {  	[simem:s6], [sflag:s4] =	dma.local [hbm:s3], $0xF7A  }
0x26: {  	[smem:$0x3F9F] =	sst s1;
	(tag) =	ssettag s2;
	_ =	strace s9  }
0x27: {  	s1 =	sld [smem:$0x3FAF]  }
0x28: {  	s2 =	sld [smem:$0x3FB0]  }
0x29: {  	s4 =	sld [smem:$0x3FB2]  }
0x2a: {  	p0 =	seq.s32 s5, $0x0;
	s5 =	sld [smem:$0x3FB3]  }
0x2b: {  	s6 =	sld [smem:$0x3FB4]  }
0x2c: {  	s7 =	sld [smem:$0x3FB5]  }
0x2d: {  	s3 =	simm.s32 $0x108;
	s8 =	sld [smem:$0x3FB6]  }
0x2e: {  	s3 =	simm.s32 @!p0 $0x1082;
	s9 =	sld [smem:$0x3FB7]  }
0x2f: {  	lr =	sadd.s32 s0, s3;
	s0 =	sld [smem:$0x3FAE]  }
0x30: {  	s3 =	sld [smem:$0x3FB1]  }
0x31: {  	[smem:$0x3FBA] =	sst s10  }
0x32: {  	s10 =	sld [smem:$0x3FB8];
	_ =	sdelay $0x3  }
0x33: {  	p0 =	seq.s32 s10, $0x1;
	s10 =	sld [smem:$0x3FBA];
	_ =	sdelay $0x3  }
0x34: {  	[smem:$0x3FBA] =	sst s10  }
0x35: {  	s10 =	sld [smem:$0x3FB9];
	_ =	sdelay $0x3  }
0x36: {  	p1 =	seq.s32 s10, $0x1;
	s10 =	sld [smem:$0x3FBA];
	_ =	sdelay $0x3  }
0x37: {  	[smem:$0x3FBA] =	sst s10  }
0x38: {  	s10 =	sld [smem:$0x3FBB]  }
0x39: {  	_ = 	snop;
	(pc) =	sbr.ind lr, $3  }
0x3a: {  	_ = 	snop  }
0x3b: {  	_ = 	snop  }
0x3c: {  	p2 =	seq.s32 s10, $0x1;
	s10 =	sld [smem:$0x3FBA]  }
0x3d: {  	_ =	shalt  }
0x3e: {  	_ =	shalt  }
0x3f: {  	_ =	shalt  }
0x40: {  	_ =	shalt  }
0x41: {  	_ =	shalt  }
0x42: {  	_ =	shalt  }
0x43: {  	_ =	shalt  }
0x44: {  	_ =	shalt  }
0x45: {  	_ =	shalt  }
0x46: {  	_ =	shalt  }
0x47: {  	_ =	shalt  }
0x48: {  	_ =	shalt  }
0x49: {  	_ =	shalt  }
0x4a: {  	_ =	shalt  }
0x4b: {  	_ =	shalt  }
0x4c: {  	_ =	shalt  }
0x4d: {  	_ =	shalt  }
0x4e: {  	_ =	shalt  }
0x4f: {  	_ =	shalt  }
0x50: {  	_ =	shalt  }
0x51: {  	_ =	shalt  }
0x52: {  	_ =	shalt  }
0x53: {  	_ =	shalt  }
0x54: {  	_ =	shalt  }
0x55: {  	_ =	shalt  }
0x56: {  	_ =	shalt  }
0x57: {  	_ =	shalt  }
0x58: {  	_ =	shalt  }
0x59: {  	_ =	shalt  }
0x5a: {  	_ =	shalt  }
0x5b: {  	_ =	shalt  }
0x5c: {  	_ =	shalt  }
0x5d: {  	_ =	shalt  }
0x5e: {  	_ =	shalt  }
0x5f: {  	_ =	shalt  }
0x60: {  	_ =	shalt  }
0x61: {  	_ =	shalt  }
0x62: {  	_ =	shalt  }
0x63: {  	_ =	shalt  }
0x64: {  	_ =	shalt  }
0x65: {  	_ =	shalt  }
0x66: {  	_ =	shalt  }
0x67: {  	_ =	shalt  }
0x68: {  	_ =	shalt  }
0x69: {  	_ =	shalt  }
0x6a: {  	_ =	shalt  }
0x6b: {  	_ =	shalt  }
0x6c: {  	_ =	shalt  }
0x6d: {  	_ =	shalt  }
0x6e: {  	_ =	shalt  }
0x6f: {  	_ =	shalt  }
0x70: {  	_ =	shalt  }
0x71: {  	_ =	shalt  }
0x72: {  	_ =	shalt  }
0x73: {  	_ =	shalt  }
0x74: {  	_ =	shalt  }
0x75: {  	_ =	shalt  }
0x76: {  	_ =	shalt  }
0x77: {  	_ =	shalt  }
0x78: {  	_ =	shalt  }
0x79: {  	_ =	shalt  }
0x7a: {  	_ =	shalt  }
0x7b: {  	_ =	shalt  }
0x7c: {  	_ =	shalt  }
0x7d: {  	_ =	shalt  }
0x7e: {  	_ =	shalt  }
0x7f: {  	_ =	shalt  }
0x80: {  	_ =	shalt  }
0x81: {  	_ =	shalt  }
0x82: {  	_ =	shalt  }
0x83: {  	_ =	shalt  }
0x84: {  	_ =	shalt  }
0x85: {  	_ =	shalt  }
0x86: {  	_ =	shalt  }
0x87: {  	_ =	shalt  }
.Lfunc_end0:
.L_simem_size_0:
called_computation.1_lowered:
.L_overlay_start_0:
0x88: {  	s2 =	sld [smem:$0x3FD9]  }
0x89: {  	s3 =	sld [smem:$0x3FFE];
	_ =	sdelay $0x1  }
0x8a: {  	s1 =	srdreg.scid  }
0x8b: {  	s0 =	sand.u32 $0x1, s1  }
0x8c: {  	s17 =	sshll.u32 s0, $0xA;
	s2 =	sadd.s32 s3, s2  }
0x8d: {  	s2 =	sadd.s32 s2, s17  }
0x8e: {  	[smem:$0x3FC6] =	sst s2  }
0x8f: {  	_ = 	snop  }
0x90: {  	s2 =	sld [smem:$0x3FD0];
	(tm) =	ssettm $0x1  }
0x91: {  	s18 =	sld [smem:$0x3FFB];
	_ =	sdelay $0x3  }
0x92: {  	_ =	strace s18  }
0x93: {  	s3 =	sld [smem:$0x3FFC];
	_ =	sdelay $0x3  }
0x94: {  	_ =	strace s3  }
0x95: {  	s3 =	sld [smem:$0x3FFD];
	_ =	sdelay $0x3  }
0x96: {  	_ =	strace s3  }
0x97: {  	_ =	strace $0x8FFFFFFF  }
0x98: {  	s19 =	sld [smem:$0x3FDB];
	_ =	sdelay $0x1  }
0x99: {  	s4 =	simm.s32 $_scs_section_size  }
0x9a: {  	s5 =	simm.s32 $_size__tile_overlayer_lowered;
	s6 =	simm.s32 $_tile_overlayer_lowered  }
0x9b: {  	s22 =	simm.s32 $0x1BFF;
	s21 =	sshll.u32 s6, $0x1;
	s3 =	sadd.s32 s4, s19  }
0x9c: {  	s7 =	simm.s32 $0x0;
	s20 =	sshll.u32 s5, $0x1;
	s5 =	sadd.s32 s21, s3  }
0x9d: {  	[timem:s7], [sflag:s22] =	dma.local [hbm:s5], s20  }
0x9e: {  	_ =	swait.ge [sflag:s22], s20  }
0x9f: {  	s4 =	ssub.s32 $0x0, s20;
	[sflag:s22] =	ssyncset.done $0x0  }
0xa0: {  	[sflag:s22] =	ssyncadd.s32 s4;
	_ =	sdelay $0x1  }
0xa1: {  	s23 =	simm.s32 $0x1B8B  }
0xa2: {  	_ =	swait.ge [sflag:s23], $0x1  }
0xa3: {  	[sflag:s23] =	ssyncset.done $0x0  }
0xa4: {  	s25 =	simm.s32 $0x1B8E;
	s24 =	sld [smem:$0x3FFE];
	[sflag:s23] =	ssyncadd.s32 $0xFFFFFFFF  }
0xa5: {  	s26 =	simm.s32 $execute0_lowered;
	[smem:$0x3FD2] =	sst s25  }
0xa6: {  	s5 =	sshll.u32 s26, $0x1;
	_ =	strace $0x80000049;
	[dreg:$0x1] =	wrdreg $0xFFFFFFFF  }
0xa7: {  	s28 =	simm.s32 $_size_execute0_lowered;
	s3 =	sadd.s32 s3, s5;
	[dreg:$0x0] =	wrdreg $0x0  }
0xa8: {  	s5 =	sshll.u32 s28, $0x1;
	[dreg:$0x2] =	wrdreg s3  }
0xa9: {  	[dreg:$0x3] =	wrdreg s5  }
0xaa: {  	[dreg:$0x4] =	wrdreg $0xC0  }
0xab: {  	_ =	task [dreg:s7], $0x5FFFF  }
0xac: {  	[dreg:$0x1] =	wrdreg $0xFFFFFFFF  }
0xad: {  	[dreg:$0x0] =	wrdreg $0x60  }
0xae: {  	[dreg:$0x2] =	wrdreg s24  }
0xaf: {  	[dreg:$0x3] =	wrdreg s2  }
0xb0: {  	[dreg:$0x4] =	wrdreg $0x9  }
0xb1: {  	_ =	task.clear_ibuf [dreg:s7], $0x5FFFF;
	_ =	strace $0x90000049  }
0xb2: {  	s29 =	simm.s32 $0x9;
	_ =	strace $0x8000004B  }
0xb3: {  	_ =	swait.ge [sflag:s29], $0x1  }
0xb4: {  	[sflag:s29] =	ssyncadd.s32 $0xFFFFFFFF  }
0xb5: {  	_ =	strace $0x9000004B  }
0xb6: {  	_ =	sfence  }
0xb7: {  	s30 =	sld [smem:$0x0];
	_ =	sdelay $0x2  }
0xb8: {  	s31 =	sshll.u32 s1, $0xD;
	s1 =	sshrl.u32 s1, $0x2  }
0xb9: {  	s3 =	sand.u32 $0x4000, s31;
	s1 =	sadd.s32 s1, s30  }
0xba: {  	s0 =	sor.u32 s3, s0;
	s1 =	sshll.u32 s1, $0x11  }
0xbb: {  	s0 =	sor.u32 s1, s0  }
0xbc: {  	s0 =	sadd.s32 $0x8F2B, s0  }
0xbd: {  	[sflag:s0] =	ssyncadd.remote.s32 $0x1  }
0xbe: {  	_ =	sfence.sel $0xFFFF  }
0xbf: {  	[dreg:$0x0] =	wrdreg $0xFFFFFFFF;
	(pc) =	sbr.abs _section_cstart, $3  }
0xc0: {  	[dreg:$0x1] =	wrdreg $0xFFFFFFFF  }
0xc1: {  	_ =	task.clear_ibuf [dreg:s7], $0x2FFFF;
	_ =	strace $0x9FFFFFFF  }
0xc2: {  	(tm) =	ssettm $0x7FFFFFFF  }
0xc3: {  	_ =	shalt  }
tec
execute0_lowered:
.L_overlay_start_1:
0x0: {  	(tag) =	ssettag $0x1  }
0x1: {  	s0 =	rddreg [dreg:$0x0]  }
0x2: {  	s1 =	srdreg.scid;
	s3 =	stileid.u32  }
0x3: {  	s2 =	rddreg [dreg:$0x1];
	s23 =	simm.s32 $0x3;
	s24 =	simm.s32 $0x80  }
0x4: {  	s31 =	simm.s32 $0x1;
	s1 =	sand.u32 $0x1, s1;
	s4 =	sshll.u32 s3, $0x1  }
0x5: {  	s3 =	simm.s32 $0x0;
	s8 =	sadd.s32 $0x8000, s2;
	s12 =	sadd.s32 $0xC000, s2  }
0x6: {  	s13 =	sadd.s32 $0x10000, s2;
	s14 =	sadd.s32 $0x14000, s2;
	s5 =	sor.u32 s1, s4  }
0x7: {  	[smem:$0x7FF] =	sst s3;
	s1 =	ssub.s32 $0x2, s1;
	s4 =	sshll.u32 s5, $0x6  }
0x8: {  	_ =	strace $0x8000004A;
	s7 =	sshrl.u32 s1, $0x1;
	s6 =	sadd.s32 s4, s0  }
0x9: {  	s4 =	sadd.s32 $0xA00, s0;
	s29 =	ssub.s32 s1, s7;
	s7 =	sadd.s32 $0x4000, s2  }
0xa: {  	s1 =	simm.s32 $0x2;
	s30 =	sadd.s32 $0x7A1C00, s6;
	s6 =	sshll.u32 s5, $0x9  }
0xb: {  	v0 =	vlaneseq.u32;
	s0 =	smax.u32 s29, $0x1;
	[dreg:$0x3] =	wrdreg s30;
	s9 =	sadd.s32 s2, s6  }
0xc: {  	v0 =	vmul.u32 $0x88, v0;
	s10 =	sadd.s32 s6, s7;
	s11 =	sadd.s32 s6, s8;
	s15 =	sadd.s32 s6, s12  }
0xd: {  	s16 =	sadd.s32 s6, s13;
	s17 =	sadd.s32 s6, s14;
	[dreg:$0x4] =	wrdreg s0  }
0xe: {  	v1 =	vadd.s32 $0x880, v0;
	v2 =	vadd.s32 $0x1100, v0;
	v3 =	vadd.s32 $0x1980, v0;
	s0 =	simm.s32 $0x0;
	s18 =	sadd.s32 $0x18000, s9;
	s19 =	sadd.s32 $0x1C000, s9  }
.LBB2_1:
0xf: {  	s5 =	rddreg [dreg:$0x3];
	s20 =	simm.s32 $0x200;
	s21 =	simm.s32 $0x4000  }
0x10: {  	[tilespmem:s3], [sflag:$0x3] =	stream.strided.gather [hbm4b:s5+s20], $0x6400, s21, s20, $0x38;
	[tilespmem:$0xE800] =	vst v63  }
0x11: {  	_ =	swait.ge [sflag:s23], $0x6400  }
0x12: {  	[sflag:s23] =	ssyncset.done $0x0  }
0x13: {  	s20 =	simm.s32 $0x6400;
	[sflag:s23] =	ssyncadd.s32 $0xFFFF9C00  }
0x14: {  	[tilespmem:s20], [sflag:$0x1] =	stream.indirect.gather [hbm4b:s4+s24], $0x40, s3, s24, $0xb8;
	[tilespmem:$0xE800] =	vst v63  }
0x15: {  	s21 =	simm.s32 $0xC600  }
0x16: {  	[hbm4b:s9+s3] =	stream.linear.scatter [tilespmem:s21], [sflag:$0x2], $0x80, $0x38;
	[tilespmem:$0xE800] =	vst v63  }
0x17: {  	s22 =	sadd.s32 $0x10, s9;
	s25 =	simm.s32 $0xC688  }
0x18: {  	[hbm4b:s22+s3] =	stream.linear.scatter [tilespmem:s25], [sflag:$0x2], $0x80, $0x38;
	[tilespmem:$0xE800] =	vst v63  }
0x19: {  	s26 =	sadd.s32 $0x20, s9;
	s28 =	simm.s32 $0xC710  }
0x1a: {  	[hbm4b:s26+s3] =	stream.linear.scatter [tilespmem:s28], [sflag:$0x2], $0x80, $0x38;
	[tilespmem:$0xE800] =	vst v63  }
0x1b: {  	s29 =	sadd.s32 $0x30, s9;
	s30 =	simm.s32 $0xC798  }
0x1c: {  	[hbm4b:s29+s3] =	stream.linear.scatter [tilespmem:s30], [sflag:$0x2], $0x80, $0x38;
	[tilespmem:$0xE800] =	vst v63  }
0x1d: {  	s20 =	sadd.s32 $0x40, s9;
	s21 =	simm.s32 $0xC820  }
0x1e: {  	[hbm4b:s20+s3] =	stream.linear.scatter [tilespmem:s21], [sflag:$0x2], $0x80, $0x38;
	[tilespmem:$0xE800] =	vst v63  }
0x1f: {  	s22 =	sadd.s32 $0x50, s9;
	s25 =	simm.s32 $0xC8A8  }
0x20: {  	[hbm4b:s22+s3] =	stream.linear.scatter [tilespmem:s25], [sflag:$0x2], $0x80, $0x38;
	[tilespmem:$0xE800] =	vst v63  }
0x21: {  	s26 =	sadd.s32 $0x60, s9;
	s28 =	simm.s32 $0xC930  }
0x22: {  	[hbm4b:s26+s3] =	stream.linear.scatter [tilespmem:s28], [sflag:$0x2], $0x80, $0x38;
	[tilespmem:$0xE800] =	vst v63  }
0x23: {  	s29 =	sadd.s32 $0x70, s9;
	s30 =	simm.s32 $0xC9B8  }
0x24: {  	[hbm4b:s29+s3] =	stream.linear.scatter [tilespmem:s30], [sflag:$0x2], $0x80, $0x38;
	[tilespmem:$0xE800] =	vst v63  }
0x25: {  	s21 =	simm.s32 $0xCA40  }
0x26: {  	[hbm4b:s10+s3] =	stream.linear.scatter [tilespmem:s21], [sflag:$0x2], $0x80, $0x38;
	[tilespmem:$0xE800] =	vst v63  }
0x27: {  	s22 =	sadd.s32 $0x10, s10;
	s25 =	simm.s32 $0xCAC8  }
0x28: {  	[hbm4b:s22+s3] =	stream.linear.scatter [tilespmem:s25], [sflag:$0x2], $0x80, $0x38;
	[tilespmem:$0xE800] =	vst v63  }
0x29: {  	s26 =	sadd.s32 $0x20, s10;
	s28 =	simm.s32 $0xCB50  }
0x2a: {  	[hbm4b:s26+s3] =	stream.linear.scatter [tilespmem:s28], [sflag:$0x2], $0x80, $0x38;
	[tilespmem:$0xE800] =	vst v63  }
0x2b: {  	s29 =	sadd.s32 $0x30, s10;
	s30 =	simm.s32 $0xCBD8  }
0x2c: {  	[hbm4b:s29+s3] =	stream.linear.scatter [tilespmem:s30], [sflag:$0x2], $0x80, $0x38;
	[tilespmem:$0xE800] =	vst v63  }
0x2d: {  	s20 =	sadd.s32 $0x40, s10;
	s21 =	simm.s32 $0xCC60  }
0x2e: {  	[hbm4b:s20+s3] =	stream.linear.scatter [tilespmem:s21], [sflag:$0x2], $0x80, $0x38;
	[tilespmem:$0xE800] =	vst v63  }
0x2f: {  	s22 =	sadd.s32 $0x50, s10;
	s25 =	simm.s32 $0xCCE8  }
0x30: {  	[hbm4b:s22+s3] =	stream.linear.scatter [tilespmem:s25], [sflag:$0x2], $0x80, $0x38;
	[tilespmem:$0xE800] =	vst v63  }
0x31: {  	s26 =	sadd.s32 $0x60, s10;
	s28 =	simm.s32 $0xCD70  }
0x32: {  	[hbm4b:s26+s3] =	stream.linear.scatter [tilespmem:s28], [sflag:$0x2], $0x80, $0x38;
	[tilespmem:$0xE800] =	vst v63  }
0x33: {  	s29 =	sadd.s32 $0x70, s10;
	s30 =	simm.s32 $0xCDF8  }
0x34: {  	[hbm4b:s29+s3] =	stream.linear.scatter [tilespmem:s30], [sflag:$0x2], $0x80, $0x38;
	[tilespmem:$0xE800] =	vst v63  }
0x35: {  	s21 =	simm.s32 $0xCE80  }
0x36: {  	[hbm4b:s11+s3] =	stream.linear.scatter [tilespmem:s21], [sflag:$0x2], $0x80, $0x38;
	[tilespmem:$0xE800] =	vst v63  }
0x37: {  	s22 =	sadd.s32 $0x10, s11;
	s25 =	simm.s32 $0xCF08  }
0x38: {  	[hbm4b:s22+s3] =	stream.linear.scatter [tilespmem:s25], [sflag:$0x2], $0x80, $0x38;
	[tilespmem:$0xE800] =	vst v63  }
0x39: {  	s26 =	sadd.s32 $0x20, s11;
	s28 =	simm.s32 $0xCF90  }
0x3a: {  	[hbm4b:s26+s3] =	stream.linear.scatter [tilespmem:s28], [sflag:$0x2], $0x80, $0x38;
	[tilespmem:$0xE800] =	vst v63  }
0x3b: {  	s29 =	sadd.s32 $0x30, s11;
	s30 =	simm.s32 $0xD018  }
0x3c: {  	[hbm4b:s29+s3] =	stream.linear.scatter [tilespmem:s30], [sflag:$0x2], $0x80, $0x38;
	[tilespmem:$0xE800] =	vst v63  }
0x3d: {  	s20 =	sadd.s32 $0x40, s11;
	s21 =	simm.s32 $0xD0A0  }
0x3e: {  	[hbm4b:s20+s3] =	stream.linear.scatter [tilespmem:s21], [sflag:$0x2], $0x80, $0x38;
	[tilespmem:$0xE800] =	vst v63  }
0x3f: {  	s22 =	sadd.s32 $0x50, s11;
	s25 =	simm.s32 $0xD128  }
0x40: {  	[hbm4b:s22+s3] =	stream.linear.scatter [tilespmem:s25], [sflag:$0x2], $0x80, $0x38;
	[tilespmem:$0xE800] =	vst v63  }
0x41: {  	s26 =	sadd.s32 $0x60, s11;
	s28 =	simm.s32 $0xD1B0  }
0x42: {  	[hbm4b:s26+s3] =	stream.linear.scatter [tilespmem:s28], [sflag:$0x2], $0x80, $0x38;
	[tilespmem:$0xE800] =	vst v63  }
0x43: {  	s29 =	sadd.s32 $0x70, s11;
	s30 =	simm.s32 $0xD238  }
0x44: {  	[hbm4b:s29+s3] =	stream.linear.scatter [tilespmem:s30], [sflag:$0x2], $0x80, $0x38;
	[tilespmem:$0xE800] =	vst v63  }
0x45: {  	s21 =	simm.s32 $0xD2C0  }
0x46: {  	[hbm4b:s15+s3] =	stream.linear.scatter [tilespmem:s21], [sflag:$0x2], $0x80, $0x38;
	[tilespmem:$0xE800] =	vst v63  }
0x47: {  	s22 =	sadd.s32 $0x10, s15;
	s25 =	simm.s32 $0xD348  }
0x48: {  	[hbm4b:s22+s3] =	stream.linear.scatter [tilespmem:s25], [sflag:$0x2], $0x80, $0x38;
	[tilespmem:$0xE800] =	vst v63  }
0x49: {  	s26 =	sadd.s32 $0x20, s15;
	s28 =	simm.s32 $0xD3D0  }
0x4a: {  	[hbm4b:s26+s3] =	stream.linear.scatter [tilespmem:s28], [sflag:$0x2], $0x80, $0x38;
	[tilespmem:$0xE800] =	vst v63  }
0x4b: {  	s29 =	sadd.s32 $0x30, s15;
	s30 =	simm.s32 $0xD458  }
0x4c: {  	[hbm4b:s29+s3] =	stream.linear.scatter [tilespmem:s30], [sflag:$0x2], $0x80, $0x38;
	[tilespmem:$0xE800] =	vst v63  }
0x4d: {  	s20 =	sadd.s32 $0x40, s15;
	s21 =	simm.s32 $0xD4E0  }
0x4e: {  	[hbm4b:s20+s3] =	stream.linear.scatter [tilespmem:s21], [sflag:$0x2], $0x80, $0x38;
	[tilespmem:$0xE800] =	vst v63  }
0x4f: {  	s22 =	sadd.s32 $0x50, s15;
	s25 =	simm.s32 $0xD568  }
0x50: {  	[hbm4b:s22+s3] =	stream.linear.scatter [tilespmem:s25], [sflag:$0x2], $0x80, $0x38;
	[tilespmem:$0xE800] =	vst v63  }
0x51: {  	s26 =	sadd.s32 $0x60, s15;
	s28 =	simm.s32 $0xD5F0  }
0x52: {  	[hbm4b:s26+s3] =	stream.linear.scatter [tilespmem:s28], [sflag:$0x2], $0x80, $0x38;
	[tilespmem:$0xE800] =	vst v63  }
0x53: {  	s29 =	sadd.s32 $0x70, s15;
	s30 =	simm.s32 $0xD678  }
0x54: {  	[hbm4b:s29+s3] =	stream.linear.scatter [tilespmem:s30], [sflag:$0x2], $0x80, $0x38;
	[tilespmem:$0xE800] =	vst v63  }
0x55: {  	s21 =	simm.s32 $0xD700  }
0x56: {  	[hbm4b:s16+s3] =	stream.linear.scatter [tilespmem:s21], [sflag:$0x2], $0x80, $0x38;
	[tilespmem:$0xE800] =	vst v63  }
0x57: {  	s22 =	sadd.s32 $0x10, s16;
	s25 =	simm.s32 $0xD788  }
0x58: {  	[hbm4b:s22+s3] =	stream.linear.scatter [tilespmem:s25], [sflag:$0x2], $0x80, $0x38;
	[tilespmem:$0xE800] =	vst v63  }
0x59: {  	s26 =	sadd.s32 $0x20, s16;
	s28 =	simm.s32 $0xD810  }
0x5a: {  	[hbm4b:s26+s3] =	stream.linear.scatter [tilespmem:s28], [sflag:$0x2], $0x80, $0x38;
	[tilespmem:$0xE800] =	vst v63  }
0x5b: {  	s29 =	sadd.s32 $0x30, s16;
	s30 =	simm.s32 $0xD898  }
0x5c: {  	[hbm4b:s29+s3] =	stream.linear.scatter [tilespmem:s30], [sflag:$0x2], $0x80, $0x38;
	[tilespmem:$0xE800] =	vst v63  }
0x5d: {  	s20 =	sadd.s32 $0x40, s16;
	s21 =	simm.s32 $0xD920  }
0x5e: {  	[hbm4b:s20+s3] =	stream.linear.scatter [tilespmem:s21], [sflag:$0x2], $0x80, $0x38;
	[tilespmem:$0xE800] =	vst v63  }
0x5f: {  	s22 =	sadd.s32 $0x50, s16;
	s25 =	simm.s32 $0xD9A8  }
0x60: {  	[hbm4b:s22+s3] =	stream.linear.scatter [tilespmem:s25], [sflag:$0x2], $0x80, $0x38;
	[tilespmem:$0xE800] =	vst v63  }
0x61: {  	s26 =	sadd.s32 $0x60, s16;
	s28 =	simm.s32 $0xDA30  }
0x62: {  	[hbm4b:s26+s3] =	stream.linear.scatter [tilespmem:s28], [sflag:$0x2], $0x80, $0x38;
	[tilespmem:$0xE800] =	vst v63  }
0x63: {  	s29 =	sadd.s32 $0x70, s16;
	s30 =	simm.s32 $0xDAB8  }
0x64: {  	[hbm4b:s29+s3] =	stream.linear.scatter [tilespmem:s30], [sflag:$0x2], $0x80, $0x38;
	[tilespmem:$0xE800] =	vst v63  }
0x65: {  	s21 =	simm.s32 $0xDB40  }
0x66: {  	[hbm4b:s17+s3] =	stream.linear.scatter [tilespmem:s21], [sflag:$0x2], $0x80, $0x38;
	[tilespmem:$0xE800] =	vst v63  }
0x67: {  	s22 =	sadd.s32 $0x10, s17;
	s25 =	simm.s32 $0xDBC8  }
0x68: {  	[hbm4b:s22+s3] =	stream.linear.scatter [tilespmem:s25], [sflag:$0x2], $0x80, $0x38;
	[tilespmem:$0xE800] =	vst v63  }
0x69: {  	s26 =	sadd.s32 $0x20, s17;
	s28 =	simm.s32 $0xDC50  }
0x6a: {  	[hbm4b:s26+s3] =	stream.linear.scatter [tilespmem:s28], [sflag:$0x2], $0x80, $0x38;
	[tilespmem:$0xE800] =	vst v63  }
0x6b: {  	s29 =	sadd.s32 $0x30, s17;
	s30 =	simm.s32 $0xDCD8  }
0x6c: {  	[hbm4b:s29+s3] =	stream.linear.scatter [tilespmem:s30], [sflag:$0x2], $0x80, $0x38;
	[tilespmem:$0xE800] =	vst v63  }
0x6d: {  	s20 =	sadd.s32 $0x40, s17;
	s21 =	simm.s32 $0xDD60  }
0x6e: {  	[hbm4b:s20+s3] =	stream.linear.scatter [tilespmem:s21], [sflag:$0x2], $0x80, $0x38;
	[tilespmem:$0xE800] =	vst v63  }
0x6f: {  	s22 =	sadd.s32 $0x50, s17;
	s25 =	simm.s32 $0xDDE8  }
0x70: {  	[hbm4b:s22+s3] =	stream.linear.scatter [tilespmem:s25], [sflag:$0x2], $0x80, $0x38;
	[tilespmem:$0xE800] =	vst v63  }
0x71: {  	s26 =	sadd.s32 $0x60, s17;
	s28 =	simm.s32 $0xDE70  }
0x72: {  	[hbm4b:s26+s3] =	stream.linear.scatter [tilespmem:s28], [sflag:$0x2], $0x80, $0x38;
	[tilespmem:$0xE800] =	vst v63  }
0x73: {  	s29 =	sadd.s32 $0x70, s17;
	s30 =	simm.s32 $0xDEF8  }
0x74: {  	[hbm4b:s29+s3] =	stream.linear.scatter [tilespmem:s30], [sflag:$0x2], $0x80, $0x38;
	[tilespmem:$0xE800] =	vst v63  }
0x75: {  	s21 =	simm.s32 $0xDF80  }
0x76: {  	[hbm4b:s18+s3] =	stream.linear.scatter [tilespmem:s21], [sflag:$0x2], $0x80, $0x38;
	[tilespmem:$0xE800] =	vst v63  }
0x77: {  	s22 =	sadd.s32 $0x10, s18;
	s25 =	simm.s32 $0xE008  }
0x78: {  	[hbm4b:s22+s3] =	stream.linear.scatter [tilespmem:s25], [sflag:$0x2], $0x80, $0x38;
	[tilespmem:$0xE800] =	vst v63  }
0x79: {  	s26 =	sadd.s32 $0x20, s18;
	s28 =	simm.s32 $0xE090  }
0x7a: {  	[hbm4b:s26+s3] =	stream.linear.scatter [tilespmem:s28], [sflag:$0x2], $0x80, $0x38;
	[tilespmem:$0xE800] =	vst v63  }
0x7b: {  	s29 =	sadd.s32 $0x30, s18;
	s30 =	simm.s32 $0xE118  }
0x7c: {  	[hbm4b:s29+s3] =	stream.linear.scatter [tilespmem:s30], [sflag:$0x2], $0x80, $0x38;
	[tilespmem:$0xE800] =	vst v63  }
0x7d: {  	s20 =	sadd.s32 $0x40, s18;
	s21 =	simm.s32 $0xE1A0  }
0x7e: {  	[hbm4b:s20+s3] =	stream.linear.scatter [tilespmem:s21], [sflag:$0x2], $0x80, $0x38;
	[tilespmem:$0xE800] =	vst v63  }
0x7f: {  	s22 =	sadd.s32 $0x50, s18;
	s25 =	simm.s32 $0xE228  }
0x80: {  	[hbm4b:s22+s3] =	stream.linear.scatter [tilespmem:s25], [sflag:$0x2], $0x80, $0x38;
	[tilespmem:$0xE800] =	vst v63  }
0x81: {  	s26 =	sadd.s32 $0x60, s18;
	s28 =	simm.s32 $0xE2B0  }
0x82: {  	[hbm4b:s26+s3] =	stream.linear.scatter [tilespmem:s28], [sflag:$0x2], $0x80, $0x38;
	[tilespmem:$0xE800] =	vst v63  }
0x83: {  	s29 =	sadd.s32 $0x70, s18;
	s30 =	simm.s32 $0xE338  }
0x84: {  	[hbm4b:s29+s3] =	stream.linear.scatter [tilespmem:s30], [sflag:$0x2], $0x80, $0x38;
	[tilespmem:$0xE800] =	vst v63  }
0x85: {  	s21 =	simm.s32 $0xE3C0  }
0x86: {  	[hbm4b:s19+s3] =	stream.linear.scatter [tilespmem:s21], [sflag:$0x2], $0x80, $0x38;
	[tilespmem:$0xE800] =	vst v63  }
0x87: {  	s22 =	sadd.s32 $0x10, s19;
	s25 =	simm.s32 $0xE448  }
0x88: {  	[hbm4b:s22+s3] =	stream.linear.scatter [tilespmem:s25], [sflag:$0x2], $0x80, $0x38;
	[tilespmem:$0xE800] =	vst v63  }
0x89: {  	s26 =	sadd.s32 $0x20, s19;
	s28 =	simm.s32 $0xE4D0  }
0x8a: {  	[hbm4b:s26+s3] =	stream.linear.scatter [tilespmem:s28], [sflag:$0x2], $0x80, $0x38;
	[tilespmem:$0xE800] =	vst v63  }
0x8b: {  	s29 =	sadd.s32 $0x30, s19;
	s30 =	simm.s32 $0xE558  }
0x8c: {  	[hbm4b:s29+s3] =	stream.linear.scatter [tilespmem:s30], [sflag:$0x2], $0x80, $0x38;
	[tilespmem:$0xE800] =	vst v63  }
0x8d: {  	s20 =	sadd.s32 $0x40, s19;
	s21 =	simm.s32 $0xE5E0  }
0x8e: {  	[hbm4b:s20+s3] =	stream.linear.scatter [tilespmem:s21], [sflag:$0x2], $0x80, $0x38;
	[tilespmem:$0xE800] =	vst v63  }
0x8f: {  	s22 =	sadd.s32 $0x50, s19;
	s25 =	simm.s32 $0xE668  }
0x90: {  	[hbm4b:s22+s3] =	stream.linear.scatter [tilespmem:s25], [sflag:$0x2], $0x80, $0x38;
	[tilespmem:$0xE800] =	vst v63  }
0x91: {  	p0 =	por $0x0, $0x0;
	s26 =	sadd.s32 $0x60, s19;
	s28 =	simm.s32 $0xE6F0  }
0x92: {  	[hbm4b:s26+s3] =	stream.linear.scatter [tilespmem:s28], [sflag:$0x2], $0x80, $0x38;
	[tilespmem:$0xE800] =	vst v63  }
0x93: {  	s29 =	sadd.s32 $0x70, s19;
	s30 =	simm.s32 $0xE778;
	s21 =	simm.s32 $0x0  }
0x94: {  	[hbm4b:s29+s3] =	stream.linear.scatter [tilespmem:s30], [sflag:$0x2], $0x80, $0x38;
	[tilespmem:$0xE800] =	vst v63  }
.LBB2_2:
0x95: {  	s5 =	simm.s32 $0x1;
	_ =	swait.ge [sflag:s31], $0x2000;
	s20 =	sand.u32 $0x1, s21  }
0x96: {  	s25 =	sadd.s32 $0x1, s21;
	s28 =	simm.s32 $0x3;
	s5 =	simm.s32 @!p0 $0x0  }
0x97: {  	[sflag:s31] =	ssyncset.done $0x0;
	s22 =	smin.u32 s25, $0xC7;
	s26 =	sshll.u32 s20, $0xD  }
0x98: {  	[sflag:s31] =	ssyncadd.s32 $0xFFFFE000;
	s26 =	ssub.s32 $0x8400, s26;
	s22 =	sshll.u32 s22, $0x7  }
0x99: {  	[tilespmem:s26], [sflag:$0x1] =	stream.indirect.gather [hbm4b:s4+s24], $0x40, s22, s24, $0xb8;
	[tilespmem:$0xE800] =	vst v63  }
0x9a: {  	v4 =	vmov s28;
	s5 =	sshll.u32 s5, $0xD;
	s22 =	simm.s32 $0x0  }
0x9b: {  	v5 =	vand.u32 $0x7F, v4;
	s29 =	sadd.s32 $0x6480, s5;
	v4 =	vmov s22  }
0x9c: {  	s20 =	smul.u32 $0x8800, s20;
	s26 =	simm.s32 $0x1;
	v8 =	vadd.s32 v0, v5;
	v7 =	vld [tilespmem:s29+$0x40];
	v6 =	vand.u32 $0x7C, v4  }
0x9d: {  	v9 =	vld [tilespmem:s29+$0xFFFFFF80];
	v4 =	vmov s26;
	v10 =	vadd.s32 v0, v6  }
0x9e: {  	s22 =	sshrl.u32 s20, $0x2;
	s20 =	simm.s32 $0x2;
	v11 =	vand.u32 $0x7D, v4  }
0x9f: {  	v13 =	vmov s20;
	v4 =	vld [tilespmem:s29+$0xFFFFFFC0];
	v12 =	vadd.s32 v0, v11  }
0xa0: {  	s26 =	sadd.s32 $0xA400, s22;
	v13 =	vand.u32 $0x7E, v13  }
0xa1: {  	v14 =	vld [tilespmem:s29+$0x0];
	v15 =	vadd.s32 v0, v13;
	[tilespmem:v8+s26+$0x0] =	vst.idx.msk $0xffff, v7  }
0xa2: {  	v8 =	vadd.s32 v1, v5;
	v7 =	vld [tilespmem:s29+$0x50];
	[tilespmem:v10+s26+$0x0] =	vst.idx.msk $0xffff, v9  }
0xa3: {  	v10 =	vadd.s32 v1, v6;
	v9 =	vld [tilespmem:s29+$0xFFFFFF90]  }
0xa4: {  	[tilespmem:v12+s26+$0x0] =	vst.idx.msk $0xffff, v4  }
0xa5: {  	v12 =	vadd.s32 v1, v11;
	v4 =	vld [tilespmem:s29+$0xFFFFFFD0]  }
0xa6: {  	[tilespmem:v15+s26+$0x0] =	vst.idx.msk $0xffff, v14  }
0xa7: {  	s5 =	simm.s32 $0x7;
	v16 =	vadd.s32 v1, v13;
	v15 =	vld [tilespmem:s29+$0x10];
	[tilespmem:v8+s26+$0x0] =	vst.idx.msk $0xffff, v7  }
0xa8: {  	v14 =	vadd.s32 v2, v5;
	v8 =	vmov s5;
	v7 =	vld [tilespmem:s29+$0x60];
	[tilespmem:v10+s26+$0x0] =	vst.idx.msk $0xffff, v9  }
0xa9: {  	s28 =	sadd.s32 $0x100, s29;
	v8 =	vand.u32 $0x7F, v8;
	v10 =	vadd.s32 v2, v6;
	v9 =	vld [tilespmem:s29+$0xFFFFFFA0]  }
0xaa: {  	s20 =	simm.s32 $0x4;
	v18 =	vld [tilespmem:s28+$0x40];
	v19 =	vadd.s32 v0, v8;
	[tilespmem:v12+s26+$0x0] =	vst.idx.msk $0xffff, v4  }
0xab: {  	v17 =	vadd.s32 v2, v11;
	v4 =	vmov s20;
	s20 =	simm.s32 $0x5;
	v12 =	vld [tilespmem:s29+$0xFFFFFFE0]  }
0xac: {  	[tilespmem:v16+s26+$0x0] =	vst.idx.msk $0xffff, v15;
	v4 =	vand.u32 $0x7C, v4;
	v22 =	vmov s20;
	s20 =	simm.s32 $0x6  }
0xad: {  	v20 =	vld [tilespmem:s28+$0xFFFFFF80];
	v21 =	vadd.s32 v0, v4;
	[tilespmem:v14+s26+$0x0] =	vst.idx.msk $0xffff, v7;
	v7 =	vand.u32 $0x7D, v22;
	v14 =	vmov s20  }
0xae: {  	v16 =	vadd.s32 v3, v5;
	v5 =	vand.u32 $0x7E, v14;
	[tilespmem:v10+s26+$0x0] =	vst.idx.msk $0xffff, v9;
	v9 =	vld [tilespmem:s28+$0xFFFFFFC0];
	v10 =	vadd.s32 v0, v7  }
0xaf: {  	v14 =	vld [tilespmem:s28+$0x0];
	[tilespmem:v19+s26+$0x0] =	vst.idx.msk $0xffff, v18;
	v63 =	vadd.s32 v0, v5  }
0xb0: {  	v18 =	vadd.s32 v2, v13;
	[tilespmem:v17+s26+$0x0] =	vst.idx.msk $0xffff, v12;
	v12 =	vld [tilespmem:s29+$0x20]  }
0xb1: {  	v15 =	vld [tilespmem:s29+$0x70]  }
0xb2: {  	v19 =	vld [tilespmem:s28+$0x50];
	[tilespmem:v21+s26+$0x0] =	vst.idx.msk $0xffff, v20;
	v20 =	vadd.s32 v1, v8  }
0xb3: {  	v23 =	vadd.s32 v1, v4;
	v21 =	vld [tilespmem:s28+$0xFFFFFF90];
	[tilespmem:v10+s26+$0x0] =	vst.idx.msk $0xffff, v9  }
0xb4: {  	v25 =	vadd.s32 v3, v11;
	v24 =	vld [tilespmem:s29+$0xFFFFFFF0];
	[tilespmem:v63+s26+$0x0] =	vst.idx.msk $0xffff, v14  }
0xb5: {  	v17 =	vld [tilespmem:s28+$0xFFFFFFD0];
	[tilespmem:v18+s26+$0x0] =	vst.idx.msk $0xffff, v12;
	v18 =	vadd.s32 v1, v7  }
0xb6: {  	[tilespmem:v16+s26+$0x0] =	vst.idx.msk $0xffff, v15;
	v16 =	vadd.s32 v1, v5;
	v15 =	vld [tilespmem:s28+$0x10]  }
0xb7: {  	v14 =	vadd.s32 v3, v13;
	[tilespmem:v20+s26+$0x0] =	vst.idx.msk $0xffff, v19;
	v11 =	vld [tilespmem:s29+$0x30]  }
0xb8: {  	v12 =	vadd.s32 v2, v8;
	[tilespmem:v23+s26+$0x0] =	vst.idx.msk $0xffff, v21;
	v9 =	vld [tilespmem:s28+$0x60]  }
0xb9: {  	s30 =	simm.s32 $0x8;
	s5 =	simm.s32 $0xC;
	s20 =	simm.s32 $0xB;
	v13 =	vadd.s32 v2, v4;
	[tilespmem:v25+s26+$0x0] =	vst.idx.msk $0xffff, v24;
	v10 =	vld [tilespmem:s28+$0xFFFFFFA0]  }
.LBB2_3:
0xba: {  	p1 =	slt.u32 s5, $0x7C;
	v19 =	vmov s20;
	[tilespmem:v18+s26+$0x0] =	vst.idx.msk $0xffff, v17;
	v17 =	vld [tilespmem:s29+$0xFFFFFFB0];
	v18 =	vadd.s32 v3, v6;
	v6 =	vmov v4;
	s29 =	smov.u32 s28  }
0xbb: {  	v4 =	vmov s30;
	v21 =	vadd.s32 v2, v7;
	s28 =	sadd.s32 $0x100, s28;
	v19 =	vand.u32 $0x7F, v19;
	v20 =	vld [tilespmem:s29+$0xFFFFFFE0];
	[tilespmem:v16+s26+$0x0] =	vst.idx.msk $0xffff, v15  }
0xbc: {  	s20 =	sadd.s32 $0x1, s30;
	v4 =	vand.u32 $0x7C, v4;
	v15 =	vld [tilespmem:s28+$0x40];
	v16 =	vadd.s32 v0, v19;
	[tilespmem:v14+s26+$0x0] =	vst.idx.msk $0xffff, v11  }
0xbd: {  	v22 =	vmov s20;
	s20 =	sadd.s32 $0x2, s30;
	s30 =	smov.u32 s5;
	v14 =	vadd.s32 v0, v4;
	v11 =	vld [tilespmem:s28+$0xFFFFFF80];
	[tilespmem:v12+s26+$0x0] =	vst.idx.msk $0xffff, v9  }
0xbe: {  	v9 =	vand.u32 $0x7D, v22;
	v12 =	vmov s20;
	[tilespmem:v13+s26+$0x0] =	vst.idx.msk $0xffff, v10;
	v10 =	vld [tilespmem:s29+$0x70];
	v13 =	vadd.s32 v3, v8;
	v8 =	vmovc v19  }
0xbf: {  	v22 =	vadd.s32 v0, v9;
	v12 =	vand.u32 $0x7E, v12;
	v19 =	vld [tilespmem:s28+$0xFFFFFFC0];
	[tilespmem:v18+s26+$0x0] =	vst.idx.msk $0xffff, v17  }
0xc0: {  	v24 =	vadd.s32 v0, v12;
	v23 =	vld [tilespmem:s28+$0x0];
	[tilespmem:v21+s26+$0x0] =	vst.idx.msk $0xffff, v20  }
0xc1: {  	v21 =	vadd.s32 v2, v5;
	[tilespmem:v16+s26+$0x0] =	vst.idx.msk $0xffff, v15;
	v20 =	vld [tilespmem:s29+$0x20]  }
0xc2: {  	[tilespmem:v14+s26+$0x0] =	vst.idx.msk $0xffff, v11;
	v11 =	vld [tilespmem:s28+$0x50];
	v14 =	vadd.s32 v1, v8  }
0xc3: {  	v26 =	vadd.s32 v1, v4;
	v25 =	vld [tilespmem:s28+$0xFFFFFF90];
	[tilespmem:v13+s26+$0x0] =	vst.idx.msk $0xffff, v10  }
0xc4: {  	[tilespmem:v22+s26+$0x0] =	vst.idx.msk $0xffff, v19;
	v19 =	vld [tilespmem:s29+$0xFFFFFFF0];
	v22 =	vadd.s32 v3, v7;
	v7 =	vmov v9  }
.Ltmp0:
0xc5: {  	v17 =	vld [tilespmem:s28+$0xFFFFFFD0];
	v18 =	vadd.s32 v1, v7;
	[tilespmem:v24+s26+$0x0] =	vst.idx.msk $0xffff, v23;
	(pc) =	sbr.rel @p1 .LBB2_3-.Ltmp0, $4  }
0xc6: {  	v16 =	vadd.s32 v1, v12;
	v15 =	vld [tilespmem:s28+$0x10];
	[tilespmem:v21+s26+$0x0] =	vst.idx.msk $0xffff, v20  }
0xc7: {  	[tilespmem:v14+s26+$0x0] =	vst.idx.msk $0xffff, v11;
	v11 =	vld [tilespmem:s29+$0x30];
	v14 =	vadd.s32 v3, v5;
	v5 =	vmov v12  }
0xc8: {  	v12 =	vadd.s32 v2, v8;
	[tilespmem:v26+s26+$0x0] =	vst.idx.msk $0xffff, v25;
	v9 =	vld [tilespmem:s28+$0x60]  }
0xc9: {  	s5 =	sadd.s32 $0x4, s5;
	s20 =	sadd.s32 $0x3, s30;
	v13 =	vadd.s32 v2, v4;
	v10 =	vld [tilespmem:s28+$0xFFFFFFA0];
	[tilespmem:v22+s26+$0x0] =	vst.idx.msk $0xffff, v19  }
0xca: {  	_ =	sdelay $0x2  }
0xcb: {  	v19 =	vmov s20  }
0xcc: {  	s20 =	sadd.s32 $0x1, s30;
	[tilespmem:v18+s26+$0x0] =	vst.idx.msk $0xffff, v17;
	v30 =	vld [tilespmem:s29+$0xFFFFFFB0];
	v6 =	vadd.s32 v3, v6;
	s5 =	sadd.s32 $0x100, s28;
	v21 =	vmov s30;
	v31 =	vand.u32 $0x7F, v19  }
0xcd: {  	s29 =	sadd.s32 $0x2, s30;
	v32 =	vmov s20;
	[tilespmem:v16+s26+$0x0] =	vst.idx.msk $0xffff, v15;
	v33 =	vld [tilespmem:s5+$0x40];
	v21 =	vand.u32 $0x7C, v21;
	v34 =	vadd.s32 v0, v31  }
0xce: {  	v20 =	vmov s29;
	v22 =	vld [tilespmem:s5+$0xFFFFFF80];
	v19 =	vand.u32 $0x7D, v32;
	[tilespmem:v14+s26+$0x0] =	vst.idx.msk $0xffff, v11;
	v39 =	vadd.s32 v0, v21  }
0xcf: {  	v35 =	vld [tilespmem:s5+$0xFFFFFFC0];
	v20 =	vand.u32 $0x7E, v20;
	v36 =	vadd.s32 v0, v19;
	[tilespmem:v12+s26+$0x0] =	vst.idx.msk $0xffff, v9  }
0xd0: {  	v37 =	vld [tilespmem:s5+$0x0];
	v38 =	vadd.s32 v0, v20;
	[tilespmem:v13+s26+$0x0] =	vst.idx.msk $0xffff, v10  }
0xd1: {  	v41 =	vadd.s32 v2, v7;
	v40 =	vld [tilespmem:s28+$0xFFFFFFE0];
	[tilespmem:v6+s26+$0x0] =	vst.idx.msk $0xffff, v30  }
0xd2: {  	v49 =	vadd.s32 v2, v5;
	v48 =	vld [tilespmem:s28+$0x20];
	[tilespmem:v34+s26+$0x0] =	vst.idx.msk $0xffff, v33  }
0xd3: {  	v43 =	vadd.s32 v1, v31;
	[tilespmem:v39+s26+$0x0] =	vst.idx.msk $0xffff, v22;
	v15 =	vld [tilespmem:s5+$0x50]  }
0xd4: {  	v47 =	vadd.s32 v1, v21;
	[tilespmem:v36+s26+$0x0] =	vst.idx.msk $0xffff, v35;
	v46 =	vld [tilespmem:s5+$0xFFFFFF90]  }
0xd5: {  	v44 =	vadd.s32 v1, v19;
	[tilespmem:v38+s26+$0x0] =	vst.idx.msk $0xffff, v37;
	v11 =	vld [tilespmem:s5+$0xFFFFFFD0]  }
0xd6: {  	v45 =	vadd.s32 v1, v20;
	[tilespmem:v41+s26+$0x0] =	vst.idx.msk $0xffff, v40;
	v9 =	vld [tilespmem:s5+$0x10]  }
0xd7: {  	v8 =	vadd.s32 v3, v8;
	v42 =	vld [tilespmem:s28+$0x70];
	[tilespmem:v49+s26+$0x0] =	vst.idx.msk $0xffff, v48  }
0xd8: {  	v5 =	vadd.s32 v3, v5;
	v13 =	vld [tilespmem:s28+$0x30];
	[tilespmem:v43+s26+$0x0] =	vst.idx.msk $0xffff, v15  }
0xd9: {  	v52 =	vadd.s32 v2, v31;
	[tilespmem:v47+s26+$0x0] =	vst.idx.msk $0xffff, v46;
	v15 =	vld [tilespmem:s5+$0x60]  }
0xda: {  	v57 =	vadd.s32 v2, v21;
	[tilespmem:v44+s26+$0x0] =	vst.idx.msk $0xffff, v11;
	v56 =	vld [tilespmem:s5+$0xFFFFFFA0]  }
0xdb: {  	v53 =	vadd.s32 v2, v19;
	[tilespmem:v45+s26+$0x0] =	vst.idx.msk $0xffff, v9;
	v11 =	vld [tilespmem:s5+$0xFFFFFFE0]  }
0xdc: {  	v55 =	vadd.s32 v2, v20;
	[tilespmem:v8+s26+$0x0] =	vst.idx.msk $0xffff, v42;
	v54 =	vld [tilespmem:s5+$0x20]  }
0xdd: {  	v4 =	vadd.s32 v3, v4;
	v58 =	vld [tilespmem:s28+$0xFFFFFFB0];
	[tilespmem:v5+s26+$0x0] =	vst.idx.msk $0xffff, v13  }
0xde: {  	v51 =	vadd.s32 v3, v7;
	v50 =	vld [tilespmem:s28+$0xFFFFFFF0];
	[tilespmem:v52+s26+$0x0] =	vst.idx.msk $0xffff, v15  }
0xdf: {  	v60 =	vadd.s32 v3, v31;
	[tilespmem:v57+s26+$0x0] =	vst.idx.msk $0xffff, v56;
	v59 =	vld [tilespmem:s5+$0x70]  }
0xe0: {  	v63 =	vadd.s32 v3, v21;
	[tilespmem:v53+s26+$0x0] =	vst.idx.msk $0xffff, v11;
	v5 =	vld [tilespmem:s5+$0xFFFFFFB0]  }
0xe1: {  	v61 =	vadd.s32 v3, v19;
	[tilespmem:v55+s26+$0x0] =	vst.idx.msk $0xffff, v54;
	v11 =	vld [tilespmem:s5+$0xFFFFFFF0]  }
0xe2: {  	v62 =	vadd.s32 v3, v20;
	[tilespmem:v4+s26+$0x0] =	vst.idx.msk $0xffff, v58;
	v6 =	vld [tilespmem:s5+$0x30]  }
0xe3: {  	[tilespmem:v51+s26+$0x0] =	vst.idx.msk $0xffff, v50  }
0xe4: {  	[tilespmem:v60+s26+$0x0] =	vst.idx.msk $0xffff, v59  }
0xe5: {  	[tilespmem:v63+s26+$0x0] =	vst.idx.msk $0xffff, v5  }
0xe6: {  	[tilespmem:v61+s26+$0x0] =	vst.idx.msk $0xffff, v11  }
0xe7: {  	s28 =	sshll.u32 s21, $0xF;
	s21 =	sshll.u32 s21, $0x7;
	[tilespmem:v62+s26+$0x0] =	vst.idx.msk $0xffff, v6  }
0xe8: {  	s20 =	sand.u32 $0x7E0000, s28;
	s5 =	sand.u32 $0x180, s21;
	_ =	swait.ge [sflag:s1], $0x2000  }
0xe9: {  	s29 =	sadd.s32 s2, s20;
	s21 =	sor.u32 s6, s5;
	[sflag:s1] =	ssyncset.done $0x0  }
0xea: {  	s5 =	sadd.s32 s21, s29;
	[sflag:s1] =	ssyncadd.s32 $0xFFFFE000  }
0xeb: {  	[hbm4b:s5+s3] =	stream.linear.scatter [tilespmem:s26], [sflag:$0x2], $0x80, $0x38;
	[tilespmem:$0xE800] =	vst v63  }
0xec: {  	s30 =	sadd.s32 $0x10, s5;
	s26 =	sadd.s32 $0xA488, s22  }
0xed: {  	[hbm4b:s30+s3] =	stream.linear.scatter [tilespmem:s26], [sflag:$0x2], $0x80, $0x38;
	[tilespmem:$0xE800] =	vst v63  }
0xee: {  	s26 =	sadd.s32 $0xA510, s22;
	s30 =	sadd.s32 $0x20, s5  }
0xef: {  	[hbm4b:s30+s3] =	stream.linear.scatter [tilespmem:s26], [sflag:$0x2], $0x80, $0x38;
	[tilespmem:$0xE800] =	vst v63  }
0xf0: {  	s26 =	sadd.s32 $0xA598, s22;
	s30 =	sadd.s32 $0x30, s5  }
0xf1: {  	[hbm4b:s30+s3] =	stream.linear.scatter [tilespmem:s26], [sflag:$0x2], $0x80, $0x38;
	[tilespmem:$0xE800] =	vst v63  }
0xf2: {  	s26 =	sadd.s32 $0xA620, s22;
	s30 =	sadd.s32 $0x40, s5  }
0xf3: {  	[hbm4b:s30+s3] =	stream.linear.scatter [tilespmem:s26], [sflag:$0x2], $0x80, $0x38;
	[tilespmem:$0xE800] =	vst v63  }
0xf4: {  	s26 =	sadd.s32 $0xA6A8, s22;
	s30 =	sadd.s32 $0x50, s5  }
0xf5: {  	[hbm4b:s30+s3] =	stream.linear.scatter [tilespmem:s26], [sflag:$0x2], $0x80, $0x38;
	[tilespmem:$0xE800] =	vst v63  }
0xf6: {  	s26 =	sadd.s32 $0xA730, s22;
	s30 =	sadd.s32 $0x60, s5  }
0xf7: {  	[hbm4b:s30+s3] =	stream.linear.scatter [tilespmem:s26], [sflag:$0x2], $0x80, $0x38;
	[tilespmem:$0xE800] =	vst v63  }
0xf8: {  	s5 =	sadd.s32 $0x70, s5;
	s30 =	sadd.s32 $0xA7B8, s22;
	s26 =	sor.u32 s21, s20  }
0xf9: {  	[hbm4b:s5+s3] =	stream.linear.scatter [tilespmem:s30], [sflag:$0x2], $0x80, $0x38;
	[tilespmem:$0xE800] =	vst v63  }
0xfa: {  	s29 =	sadd.s32 $0xA840, s22;
	s5 =	sadd.s32 s26, s7  }
0xfb: {  	[hbm4b:s5+s3] =	stream.linear.scatter [tilespmem:s29], [sflag:$0x2], $0x80, $0x38;
	[tilespmem:$0xE800] =	vst v63  }
0xfc: {  	s20 =	sadd.s32 $0xA8C8, s22;
	s30 =	sadd.s32 $0x10, s5  }
0xfd: {  	[hbm4b:s30+s3] =	stream.linear.scatter [tilespmem:s20], [sflag:$0x2], $0x80, $0x38;
	[tilespmem:$0xE800] =	vst v63  }
0xfe: {  	s20 =	sadd.s32 $0xA950, s22;
	s30 =	sadd.s32 $0x20, s5  }
0xff: {  	[hbm4b:s30+s3] =	stream.linear.scatter [tilespmem:s20], [sflag:$0x2], $0x80, $0x38;
	[tilespmem:$0xE800] =	vst v63  }
0x100: {  	s20 =	sadd.s32 $0xA9D8, s22;
	s30 =	sadd.s32 $0x30, s5  }
0x101: {  	[hbm4b:s30+s3] =	stream.linear.scatter [tilespmem:s20], [sflag:$0x2], $0x80, $0x38;
	[tilespmem:$0xE800] =	vst v63  }
0x102: {  	s20 =	sadd.s32 $0xAA60, s22;
	s30 =	sadd.s32 $0x40, s5  }
0x103: {  	[hbm4b:s30+s3] =	stream.linear.scatter [tilespmem:s20], [sflag:$0x2], $0x80, $0x38;
	[tilespmem:$0xE800] =	vst v63  }
0x104: {  	s20 =	sadd.s32 $0xAAE8, s22;
	s30 =	sadd.s32 $0x50, s5  }
0x105: {  	[hbm4b:s30+s3] =	stream.linear.scatter [tilespmem:s20], [sflag:$0x2], $0x80, $0x38;
	[tilespmem:$0xE800] =	vst v63  }
0x106: {  	s20 =	sadd.s32 $0xAB70, s22;
	s30 =	sadd.s32 $0x60, s5  }
0x107: {  	[hbm4b:s30+s3] =	stream.linear.scatter [tilespmem:s20], [sflag:$0x2], $0x80, $0x38;
	[tilespmem:$0xE800] =	vst v63  }
0x108: {  	s5 =	sadd.s32 $0x70, s5;
	s30 =	sadd.s32 $0xABF8, s22  }
0x109: {  	[hbm4b:s5+s3] =	stream.linear.scatter [tilespmem:s30], [sflag:$0x2], $0x80, $0x38;
	[tilespmem:$0xE800] =	vst v63  }
0x10a: {  	s29 =	sadd.s32 $0xAC80, s22;
	s5 =	sadd.s32 s26, s8  }
0x10b: {  	[hbm4b:s5+s3] =	stream.linear.scatter [tilespmem:s29], [sflag:$0x2], $0x80, $0x38;
	[tilespmem:$0xE800] =	vst v63  }
0x10c: {  	s20 =	sadd.s32 $0xAD08, s22;
	s30 =	sadd.s32 $0x10, s5  }
0x10d: {  	[hbm4b:s30+s3] =	stream.linear.scatter [tilespmem:s20], [sflag:$0x2], $0x80, $0x38;
	[tilespmem:$0xE800] =	vst v63  }
0x10e: {  	s20 =	sadd.s32 $0xAD90, s22;
	s30 =	sadd.s32 $0x20, s5  }
0x10f: {  	[hbm4b:s30+s3] =	stream.linear.scatter [tilespmem:s20], [sflag:$0x2], $0x80, $0x38;
	[tilespmem:$0xE800] =	vst v63  }
0x110: {  	s20 =	sadd.s32 $0xAE18, s22;
	s30 =	sadd.s32 $0x30, s5  }
0x111: {  	[hbm4b:s30+s3] =	stream.linear.scatter [tilespmem:s20], [sflag:$0x2], $0x80, $0x38;
	[tilespmem:$0xE800] =	vst v63  }
0x112: {  	s20 =	sadd.s32 $0xAEA0, s22;
	s30 =	sadd.s32 $0x40, s5  }
0x113: {  	[hbm4b:s30+s3] =	stream.linear.scatter [tilespmem:s20], [sflag:$0x2], $0x80, $0x38;
	[tilespmem:$0xE800] =	vst v63  }
0x114: {  	s20 =	sadd.s32 $0xAF28, s22;
	s30 =	sadd.s32 $0x50, s5  }
0x115: {  	[hbm4b:s30+s3] =	stream.linear.scatter [tilespmem:s20], [sflag:$0x2], $0x80, $0x38;
	[tilespmem:$0xE800] =	vst v63  }
0x116: {  	s20 =	sadd.s32 $0xAFB0, s22;
	s30 =	sadd.s32 $0x60, s5  }
0x117: {  	[hbm4b:s30+s3] =	stream.linear.scatter [tilespmem:s20], [sflag:$0x2], $0x80, $0x38;
	[tilespmem:$0xE800] =	vst v63  }
0x118: {  	s5 =	sadd.s32 $0x70, s5;
	s30 =	sadd.s32 $0xB038, s22  }
0x119: {  	[hbm4b:s5+s3] =	stream.linear.scatter [tilespmem:s30], [sflag:$0x2], $0x80, $0x38;
	[tilespmem:$0xE800] =	vst v63  }
0x11a: {  	s29 =	sadd.s32 $0xB0C0, s22;
	s5 =	sadd.s32 s26, s12  }
0x11b: {  	[hbm4b:s5+s3] =	stream.linear.scatter [tilespmem:s29], [sflag:$0x2], $0x80, $0x38;
	[tilespmem:$0xE800] =	vst v63  }
0x11c: {  	s20 =	sadd.s32 $0xB148, s22;
	s30 =	sadd.s32 $0x10, s5  }
0x11d: {  	[hbm4b:s30+s3] =	stream.linear.scatter [tilespmem:s20], [sflag:$0x2], $0x80, $0x38;
	[tilespmem:$0xE800] =	vst v63  }
0x11e: {  	s20 =	sadd.s32 $0xB1D0, s22;
	s30 =	sadd.s32 $0x20, s5  }
0x11f: {  	[hbm4b:s30+s3] =	stream.linear.scatter [tilespmem:s20], [sflag:$0x2], $0x80, $0x38;
	[tilespmem:$0xE800] =	vst v63  }
0x120: {  	s20 =	sadd.s32 $0xB258, s22;
	s30 =	sadd.s32 $0x30, s5  }
0x121: {  	[hbm4b:s30+s3] =	stream.linear.scatter [tilespmem:s20], [sflag:$0x2], $0x80, $0x38;
	[tilespmem:$0xE800] =	vst v63  }
0x122: {  	s20 =	sadd.s32 $0xB2E0, s22;
	s30 =	sadd.s32 $0x40, s5  }
0x123: {  	[hbm4b:s30+s3] =	stream.linear.scatter [tilespmem:s20], [sflag:$0x2], $0x80, $0x38;
	[tilespmem:$0xE800] =	vst v63  }
0x124: {  	s20 =	sadd.s32 $0xB368, s22;
	s30 =	sadd.s32 $0x50, s5  }
0x125: {  	[hbm4b:s30+s3] =	stream.linear.scatter [tilespmem:s20], [sflag:$0x2], $0x80, $0x38;
	[tilespmem:$0xE800] =	vst v63  }
0x126: {  	s20 =	sadd.s32 $0xB3F0, s22;
	s30 =	sadd.s32 $0x60, s5  }
0x127: {  	[hbm4b:s30+s3] =	stream.linear.scatter [tilespmem:s20], [sflag:$0x2], $0x80, $0x38;
	[tilespmem:$0xE800] =	vst v63  }
0x128: {  	s5 =	sadd.s32 $0x70, s5;
	s30 =	sadd.s32 $0xB478, s22  }
0x129: {  	[hbm4b:s5+s3] =	stream.linear.scatter [tilespmem:s30], [sflag:$0x2], $0x80, $0x38;
	[tilespmem:$0xE800] =	vst v63  }
0x12a: {  	s29 =	sadd.s32 $0xB500, s22;
	s5 =	sadd.s32 s26, s13  }
0x12b: {  	[hbm4b:s5+s3] =	stream.linear.scatter [tilespmem:s29], [sflag:$0x2], $0x80, $0x38;
	[tilespmem:$0xE800] =	vst v63  }
0x12c: {  	s20 =	sadd.s32 $0xB588, s22;
	s30 =	sadd.s32 $0x10, s5  }
0x12d: {  	[hbm4b:s30+s3] =	stream.linear.scatter [tilespmem:s20], [sflag:$0x2], $0x80, $0x38;
	[tilespmem:$0xE800] =	vst v63  }
0x12e: {  	s20 =	sadd.s32 $0xB610, s22;
	s30 =	sadd.s32 $0x20, s5  }
0x12f: {  	[hbm4b:s30+s3] =	stream.linear.scatter [tilespmem:s20], [sflag:$0x2], $0x80, $0x38;
	[tilespmem:$0xE800] =	vst v63  }
0x130: {  	s20 =	sadd.s32 $0xB698, s22;
	s30 =	sadd.s32 $0x30, s5  }
0x131: {  	[hbm4b:s30+s3] =	stream.linear.scatter [tilespmem:s20], [sflag:$0x2], $0x80, $0x38;
	[tilespmem:$0xE800] =	vst v63  }
0x132: {  	s20 =	sadd.s32 $0xB720, s22;
	s30 =	sadd.s32 $0x40, s5  }
0x133: {  	[hbm4b:s30+s3] =	stream.linear.scatter [tilespmem:s20], [sflag:$0x2], $0x80, $0x38;
	[tilespmem:$0xE800] =	vst v63  }
0x134: {  	s20 =	sadd.s32 $0xB7A8, s22;
	s30 =	sadd.s32 $0x50, s5  }
0x135: {  	[hbm4b:s30+s3] =	stream.linear.scatter [tilespmem:s20], [sflag:$0x2], $0x80, $0x38;
	[tilespmem:$0xE800] =	vst v63  }
0x136: {  	s20 =	sadd.s32 $0xB830, s22;
	s30 =	sadd.s32 $0x60, s5  }
0x137: {  	[hbm4b:s30+s3] =	stream.linear.scatter [tilespmem:s20], [sflag:$0x2], $0x80, $0x38;
	[tilespmem:$0xE800] =	vst v63  }
0x138: {  	s5 =	sadd.s32 $0x70, s5;
	s30 =	sadd.s32 $0xB8B8, s22  }
0x139: {  	[hbm4b:s5+s3] =	stream.linear.scatter [tilespmem:s30], [sflag:$0x2], $0x80, $0x38;
	[tilespmem:$0xE800] =	vst v63  }
0x13a: {  	s29 =	sadd.s32 $0xB940, s22;
	s5 =	sadd.s32 s26, s14  }
0x13b: {  	[hbm4b:s5+s3] =	stream.linear.scatter [tilespmem:s29], [sflag:$0x2], $0x80, $0x38;
	[tilespmem:$0xE800] =	vst v63  }
0x13c: {  	s30 =	sadd.s32 $0xB9C8, s22;
	s26 =	sadd.s32 $0x10, s5  }
0x13d: {  	[hbm4b:s26+s3] =	stream.linear.scatter [tilespmem:s30], [sflag:$0x2], $0x80, $0x38;
	[tilespmem:$0xE800] =	vst v63  }
0x13e: {  	s29 =	sadd.s32 $0xBA50, s22;
	s30 =	sadd.s32 $0x20, s5  }
0x13f: {  	[hbm4b:s30+s3] =	stream.linear.scatter [tilespmem:s29], [sflag:$0x2], $0x80, $0x38;
	[tilespmem:$0xE800] =	vst v63  }
0x140: {  	s29 =	sadd.s32 $0xBAD8, s22;
	s30 =	sadd.s32 $0x30, s5  }
0x141: {  	[hbm4b:s30+s3] =	stream.linear.scatter [tilespmem:s29], [sflag:$0x2], $0x80, $0x38;
	[tilespmem:$0xE800] =	vst v63  }
0x142: {  	s29 =	sadd.s32 $0xBB60, s22;
	s30 =	sadd.s32 $0x40, s5  }
0x143: {  	[hbm4b:s30+s3] =	stream.linear.scatter [tilespmem:s29], [sflag:$0x2], $0x80, $0x38;
	[tilespmem:$0xE800] =	vst v63  }
0x144: {  	s29 =	sadd.s32 $0xBBE8, s22;
	s30 =	sadd.s32 $0x50, s5  }
0x145: {  	[hbm4b:s30+s3] =	stream.linear.scatter [tilespmem:s29], [sflag:$0x2], $0x80, $0x38;
	[tilespmem:$0xE800] =	vst v63  }
0x146: {  	s26 =	sadd.s32 $0xBC70, s22;
	s29 =	sadd.s32 $0x60, s5  }
0x147: {  	[hbm4b:s29+s3] =	stream.linear.scatter [tilespmem:s26], [sflag:$0x2], $0x80, $0x38;
	[tilespmem:$0xE800] =	vst v63  }
0x148: {  	s20 =	sor.u32 $0x18000, s28;
	s30 =	sadd.s32 $0xBCF8, s22;
	s5 =	sadd.s32 $0x70, s5  }
0x149: {  	[hbm4b:s5+s3] =	stream.linear.scatter [tilespmem:s30], [sflag:$0x2], $0x80, $0x38;
	[tilespmem:$0xE800] =	vst v63  }
0x14a: {  	s5 =	sadd.s32 s2, s20  }
0x14b: {  	s26 =	sadd.s32 $0xBD80, s22;
	s5 =	sadd.s32 s21, s5  }
0x14c: {  	[hbm4b:s5+s3] =	stream.linear.scatter [tilespmem:s26], [sflag:$0x2], $0x80, $0x38;
	[tilespmem:$0xE800] =	vst v63  }
0x14d: {  	s29 =	sadd.s32 $0xBE08, s22;
	s30 =	sadd.s32 $0x10, s5  }
0x14e: {  	[hbm4b:s30+s3] =	stream.linear.scatter [tilespmem:s29], [sflag:$0x2], $0x80, $0x38;
	[tilespmem:$0xE800] =	vst v63  }
0x14f: {  	s29 =	sadd.s32 $0xBE90, s22;
	s30 =	sadd.s32 $0x20, s5  }
0x150: {  	[hbm4b:s30+s3] =	stream.linear.scatter [tilespmem:s29], [sflag:$0x2], $0x80, $0x38;
	[tilespmem:$0xE800] =	vst v63  }
0x151: {  	s29 =	sadd.s32 $0xBF18, s22;
	s30 =	sadd.s32 $0x30, s5  }
0x152: {  	[hbm4b:s30+s3] =	stream.linear.scatter [tilespmem:s29], [sflag:$0x2], $0x80, $0x38;
	[tilespmem:$0xE800] =	vst v63  }
0x153: {  	s29 =	sadd.s32 $0xBFA0, s22;
	s30 =	sadd.s32 $0x40, s5  }
0x154: {  	[hbm4b:s30+s3] =	stream.linear.scatter [tilespmem:s29], [sflag:$0x2], $0x80, $0x38;
	[tilespmem:$0xE800] =	vst v63  }
0x155: {  	s29 =	sadd.s32 $0xC028, s22;
	s30 =	sadd.s32 $0x50, s5  }
0x156: {  	[hbm4b:s30+s3] =	stream.linear.scatter [tilespmem:s29], [sflag:$0x2], $0x80, $0x38;
	[tilespmem:$0xE800] =	vst v63  }
0x157: {  	s26 =	sadd.s32 $0xC0B0, s22;
	s29 =	sadd.s32 $0x60, s5  }
0x158: {  	[hbm4b:s29+s3] =	stream.linear.scatter [tilespmem:s26], [sflag:$0x2], $0x80, $0x38;
	[tilespmem:$0xE800] =	vst v63  }
0x159: {  	s20 =	sor.u32 $0x1C000, s28;
	s30 =	sadd.s32 $0xC138, s22;
	s5 =	sadd.s32 $0x70, s5  }
0x15a: {  	[hbm4b:s5+s3] =	stream.linear.scatter [tilespmem:s30], [sflag:$0x2], $0x80, $0x38;
	[tilespmem:$0xE800] =	vst v63  }
0x15b: {  	s5 =	sadd.s32 s2, s20  }
0x15c: {  	s26 =	sadd.s32 $0xC1C0, s22;
	s5 =	sadd.s32 s21, s5  }
0x15d: {  	[hbm4b:s5+s3] =	stream.linear.scatter [tilespmem:s26], [sflag:$0x2], $0x80, $0x38;
	[tilespmem:$0xE800] =	vst v63  }
0x15e: {  	s28 =	sadd.s32 $0xC248, s22;
	s21 =	sadd.s32 $0x10, s5  }
0x15f: {  	[hbm4b:s21+s3] =	stream.linear.scatter [tilespmem:s28], [sflag:$0x2], $0x80, $0x38;
	[tilespmem:$0xE800] =	vst v63  }
0x160: {  	s29 =	sadd.s32 $0xC2D0, s22;
	s30 =	sadd.s32 $0x20, s5  }
0x161: {  	[hbm4b:s30+s3] =	stream.linear.scatter [tilespmem:s29], [sflag:$0x2], $0x80, $0x38;
	[tilespmem:$0xE800] =	vst v63  }
0x162: {  	s26 =	sadd.s32 $0xC358, s22;
	s28 =	sadd.s32 $0x30, s5  }
0x163: {  	[hbm4b:s28+s3] =	stream.linear.scatter [tilespmem:s26], [sflag:$0x2], $0x80, $0x38;
	[tilespmem:$0xE800] =	vst v63  }
0x164: {  	s29 =	sadd.s32 $0xC3E0, s22;
	s30 =	sadd.s32 $0x40, s5  }
0x165: {  	[hbm4b:s30+s3] =	stream.linear.scatter [tilespmem:s29], [sflag:$0x2], $0x80, $0x38;
	[tilespmem:$0xE800] =	vst v63  }
0x166: {  	p1 =	sne.s32 s25, $0xC8;
	s21 =	sadd.s32 $0xC468, s22;
	s26 =	sadd.s32 $0x50, s5  }
0x167: {  	[hbm4b:s26+s3] =	stream.linear.scatter [tilespmem:s21], [sflag:$0x2], $0x80, $0x38;
	[tilespmem:$0xE800] =	vst v63  }
.Ltmp1:
0x168: {  	_ = 	snop;
	(pc) =	sbr.rel @p1 .LBB2_2-.Ltmp1, $4  }
0x169: {  	p0 =	por !p0, !p0;
	s28 =	sadd.s32 $0xC4F0, s22;
	s29 =	sadd.s32 $0x60, s5  }
0x16a: {  	[hbm4b:s29+s3] =	stream.linear.scatter [tilespmem:s28], [sflag:$0x2], $0x80, $0x38;
	[tilespmem:$0xE800] =	vst v63  }
0x16b: {  	s30 =	sadd.s32 $0xC578, s22;
	s5 =	sadd.s32 $0x70, s5;
	s21 =	smov.u32 s25  }
0x16c: {  	[hbm4b:s5+s3] =	stream.linear.scatter [tilespmem:s30], [sflag:$0x2], $0x80, $0x38;
	[tilespmem:$0xE800] =	vst v63  }
0x16d: {  	_ =	swait.ge [sflag:s31], $0x2000  }
0x16e: {  	[sflag:s31] =	ssyncset.done $0x0  }
0x16f: {  	[sflag:s31] =	ssyncadd.s32 $0xFFFFE000  }
0x170: {  	_ =	swait.ge [sflag:s1], $0x2000  }
0x171: {  	s0 =	sadd.s32 $0x1, s0;
	s5 =	rddreg [dreg:$0x4]  }
0x172: {  	p0 =	sne.s32 s0, s5  }
.Ltmp2:
0x173: {  	_ = 	snop;
	(pc) =	sbr.rel @p0 .LBB2_1-.Ltmp2, $3  }
0x174: {  	_ =	sdelay $0x1  }
0x175: {  	[sflag:s1] =	ssyncset.done $0x0  }
0x176: {  	[sflag:s1] =	ssyncadd.s32 $0xFFFFE000  }
0x177: {  	_ =	sfence.sel $0x180000  }
0x178: {  	[bflag:$0x0] =	sbarrier.arrive $0xFFFF  }
0x179: {  	_ =	strace $0x9000004A  }
0x17a: {  	s0 =	stileid.u32;
	[bflag:$0x2] =	sbarrier.arrive $0xFFFF  }
0x17b: {  	p0 =	sne.s32 s0, $0x0;
	s0 =	rddreg [dreg:$0x2]  }
0x17c: {  	s0 =	sadd.s32 @!p0 $0x100000, s0  }
0x17d: {  	[sflag:s0] =	ssyncadd.tile.s32 @!p0 $0x1;
	_ =	shalt  }
.Lfunc_end2:
_tile_overlayer_lowered:
.L_overlay_start_2:
0x17e: {  	(tag) =	ssettag $0x2  }
0x17f: {  	s0 =	rddreg [dreg:$0x0];
	s2 =	stileid.u32  }
0x180: {  	s1 =	rddreg [dreg:$0x1];
	p0 =	sne.s32 s2, $0x0  }
0x181: {  	s3 =	rddreg [dreg:$0x2];
	[bflag:$0x3] =	sbarrier.arrive $0xFFFF;
	s2 =	simm.s32 @!p0 $0x1C03  }
0x182: {  	[timem:s3], [sflag:s2] =	dma.local @!p0 [hbm:s0], s1  }
0x183: {  	s0 =	simm.s32 @!p0 $0x3  }
0x184: {  	_ =	swait.ge @!p0 [sflag:s0], s1  }
0x185: {  	s1 =	ssub.s32 @!p0 $0x0, s1;
	[sflag:s0] =	ssyncset.done @!p0 $0x0  }
0x186: {  	[sflag:s0] =	ssyncadd.s32 @!p0 s1  }
0x187: {  	[bflag:$0x3] =	sbarrier.arrive $0xFFFF  }
0x188: {  	_ =	shalt  }

</sc_bundles>
